<compile_context>
chip_gen: v7x
topology: tpu7x:2x2x1
jax: 0.10.2.dev20260603
libtpu: 0.0.44.dev20260713+nightly
codegen_flags: <defaults>
</compile_context>

<pallas_src>
import functools

import jax
import jax.numpy as jnp
from jax import lax
from jax.experimental import pallas as pl
from jax.experimental.pallas import tpu as pltpu
from jax.experimental.pallas import tpu_sc as plsc

_N = 10000
_NNZ = 320000
_FIN = 128
_FOUT = 128

_NC = 2
_NS = 16
_NW = _NC * _NS
_L = 16
_EPW = _NNZ // _NW
_NV = _EPW // _L
_NP = 10240
_OUT = _NW * 3 * _NP
_GIW = 10112
_RB = _NP // 128


def _rowsum_body(x_ref, s_ref):
    s_ref[...] = jnp.sum(x_ref[...], axis=1)


def _sc_edges_body(s_hbm, gi_hbm, val_hbm, out_hbm,
                   s_v, rc_v, val_v, acc_v, sem):
    wid = lax.axis_index("s") * _NC + lax.axis_index("c")
    base = wid * _EPW
    off = lax.rem(base, 128)
    start = pl.multiple_of(base - off, 128)

    c1 = pltpu.async_copy(s_hbm, s_v, sem)
    c2 = pltpu.async_copy(gi_hbm.at[:, pl.ds(start, _GIW)], rc_v, sem)
    c3 = pltpu.async_copy(val_hbm.at[pl.ds(base, _EPW)], val_v, sem)

    zeros = jnp.zeros((_L,), jnp.float32)
    nsplat = jnp.full((_L,), _N, jnp.int32)
    nsplat2 = jnp.full((_L,), 2 * _N, jnp.int32)

    def _zero(i, _):
        acc_v[pl.ds(i * _L, _L)] = zeros
        return 0

    lax.fori_loop(0, (3 * _N) // _L, _zero, 0, unroll=4)
    c1.wait()
    c2.wait()
    c3.wait()

    def _pass1(i, _):
        sl = pl.ds(off + i * _L, _L)
        r = rc_v[0, sl]
        c = rc_v[1, sl]
        v = val_v[pl.ds(i * _L, _L)]
        g = plsc.load_gather(s_v, [c])
        pv = v * g
        v2 = v * v
        p2 = v2 * g
        p6 = v2 * v2 * p2
        plsc.addupdate_scatter(acc_v, [r], pv)
        plsc.addupdate_scatter(acc_v, [r + nsplat], p2)
        plsc.addupdate_scatter(acc_v, [r + nsplat2], p6)
        return 0

    obase = wid * (3 * _NP)
    lax.fori_loop(0, _NV, _pass1, 0, unroll=2)
    pltpu.sync_copy(acc_v.at[pl.ds(0, _N)], out_hbm.at[pl.ds(obase, _N)])
    pltpu.sync_copy(acc_v.at[pl.ds(_N, _N)],
                    out_hbm.at[pl.ds(obase + _NP, _N)])
    pltpu.sync_copy(acc_v.at[pl.ds(2 * _N, _N)],
                    out_hbm.at[pl.ds(obase + 2 * _NP, _N)])


def _final_body(p_ref, fc_ref, y_ref):
    t = jnp.sum(p_ref[...], axis=0)
    t24 = t.reshape(48, 128)
    tt = jnp.transpose(t24)
    fc = fc_ref[...]
    fct = jnp.transpose(fc)
    w = jnp.concatenate(
        [fct[0:1] + fct[1:2], fct[2:3], fct[3:4]], axis=0)
    for rr in range(16):
        z = jnp.concatenate(
            [tt[:, rr:rr + 1],
             tt[:, 16 + rr:16 + rr + 1],
             tt[:, 32 + rr:32 + rr + 1]], axis=1)
        blk = jax.lax.dot_general(
            z, w, (((1,), (0,)), ((), ())),
            preferred_element_type=jnp.float32,
            precision=jax.lax.Precision.HIGHEST)
        y_ref[pl.ds(rr * 128, 128), :] = blk


@jax.jit
def kernel(x, gso_indices, gso_values, filterCoeff):
    s = pl.pallas_call(
        _rowsum_body,
        grid=(2,),
        in_specs=[pl.BlockSpec((5120, _FIN), lambda i: (i, 0))],
        out_specs=pl.BlockSpec((5120,), lambda i: (i,)),
        out_shape=jax.ShapeDtypeStruct((_NP,), jnp.float32),
    )(x)

    sc_edges = functools.partial(
        pl.kernel,
        mesh=plsc.VectorSubcoreMesh(core_axis_name="c", subcore_axis_name="s"),
        out_type=jax.ShapeDtypeStruct((_OUT,), jnp.float32),
        compiler_params=pltpu.CompilerParams(needs_layout_passes=False),
        scratch_types=[
            pltpu.VMEM((_NP,), jnp.float32),
            pltpu.VMEM((2, _GIW), jnp.int32),
            pltpu.VMEM((_EPW,), jnp.float32),
            pltpu.VMEM((3 * _N,), jnp.float32),
            pltpu.SemaphoreType.DMA,
        ],
    )(_sc_edges_body)
    partials = sc_edges(s, gso_indices, gso_values)
    p4 = partials.reshape(_NW, 3, _RB, 128)

    y = pl.pallas_call(
        _final_body,
        grid=(5,),
        in_specs=[pl.BlockSpec((_NW, 3, 16, 128), lambda i: (0, 0, i, 0)),
                  pl.BlockSpec((_FOUT, 4), lambda i: (0, 0))],
        out_specs=pl.BlockSpec((2048, _FOUT), lambda i: (i, 0)),
        out_shape=jax.ShapeDtypeStruct((_N, _FOUT), jnp.float32),
    )(p4, filterCoeff)
    return y

# --- scband reference (transcript-rebuilt; emitter-appended) ---
"""Pipeline reference for scband-bayesian-gfl-62895501082688 (READ-ONLY COPY).

The authoritative reference and input builder live on the scoring server;
editing this copy changes nothing except your own understanding.
"""

import jax, jax.numpy as jnp
import numpy as np

N = 10000        # numUsers / nodes
NNZ = 320000     # nonzeros in GSO (avg_degree=32)
FIN = 128        # inFeat
FOUT = 128       # outFeat
ORDER = 4        # number of filter taps


def setup_inputs(seed: int = 0) -> dict:
    key = jax.random.key(seed)
    k1, k2, k3, k4, k5 = jax.random.split(key, 5)
    x = jax.random.normal(k1, (N, FIN), dtype=jnp.float32)
    row = jax.random.randint(k2, (NNZ,), 0, N)
    col = jax.random.randint(k3, (NNZ,), 0, N)
    gso_indices = jnp.stack([row, col], axis=0).astype(jnp.int32)
    # sparse GSO values (like scipy coo data); positive so elementwise powers stay bounded
    gso_values = jax.random.uniform(k4, (NNZ,), dtype=jnp.float32)
    # learned parameter: filterCoeff = nn.Parameter(torch.randn(outFeat, order))
    filterCoeff = jax.random.normal(k5, (FOUT, ORDER), dtype=jnp.float32)
    return {"x": x, "gso_indices": gso_indices, "gso_values": gso_values, "filterCoeff": filterCoeff}


def reference(x, gso_indices, gso_values, filterCoeff):
    # Faithful translation of BayesianGFL.forward.
    # Original loops over (inFeat, outFeat) but the math is linear:
    #   y[n, o] = sum_i sum_tap c[o, tap] * (A_tap @ x[:, i])[n]
    # where A_tap is the GSO with values raised ELEMENTWISE via the
    # GSOPow = GSOPow ** (i+1) update (torch ** on sparse is elementwise pow):
    #   tap 0 uses v, tap 1 uses v (v**1), tap 2 uses v**2, tap 3 uses v**6.
    num_nodes = x.shape[0]
    order = filterCoeff.shape[1]
    row = gso_indices[0]
    col = gso_indices[1]
    vals = gso_values
    taps = []
    for i in range(order):
        gathered = jnp.take(x, col, axis=0)                      # [nnz, FIN] gather
        prod = vals[:, None] * gathered                          # scale by sparse values
        Ax = jax.ops.segment_sum(prod, row, num_segments=num_nodes)  # scatter-add SpMM: [N, FIN]
        taps.append(jnp.sum(Ax, axis=1))                         # sum over inFeat dim (final sum over dim=2)
        if i != order - 1:
            vals = vals ** (i + 1)                               # GSOPow = GSOPow ** (i+1)
    z = jnp.stack(taps, axis=1)                                  # [N, order]
    y = z @ filterCoeff.T                                        # [N, outFeat]
    return y

if __name__ == "__main__":
    import jax
    _d = setup_inputs()
    print(jax.jit(kernel)(*tuple(_d.values())))

</pallas_src>

<mosaic_0001>
#map = affine_map<(d0, d1) -> (0)>
#map1 = affine_map<(d0, d1) -> (0, 0)>
module attributes {stable_mosaic.version = 14 : i64} {
  func.func @_sc_edges_body(%arg0: i32, %arg1: i32, %arg2: memref<10240xf32, #tpu.memory_space<hbm>>, %arg3: memref<2x320000xi32, #tpu.memory_space<hbm>>, %arg4: memref<320000xf32, #tpu.memory_space<hbm>>, %arg5: memref<983040xf32, #tpu.memory_space<hbm>>, %arg6: memref<10240xf32, #tpu.memory_space<vmem>>, %arg7: memref<2x10112xi32, #tpu.memory_space<vmem>>, %arg8: memref<10000xf32, #tpu.memory_space<vmem>>, %arg9: memref<30000xf32, #tpu.memory_space<vmem>>, %arg10: memref<!tpu.dma_semaphore, #tpu.memory_space<semaphore_mem>>) attributes {dimension_semantics = [#tpu.dimension_semantics<core_parallel>, #tpu.dimension_semantics<subcore_parallel>], iteration_bounds = array<i64: 2, 16>, scalar_prefetch = 0 : i64, scratch_operands = 5 : i64, tpu.core_type = #tpu.core_type<sc_vector_subcore>, window_params = [{transform_indices = #map}, {transform_indices = #map1}, {transform_indices = #map}, {transform_indices = #map}]} {
    %mul3A = arith.constant 2 : i32
    %mul3A_0 = arith.muli %arg1, %mul3A : i32
    %add3A = arith.addi %mul3A_0, %arg0 : i32
    %mul3A_1 = arith.constant 10000 : i32
    %mul3A_2 = arith.muli %add3A, %mul3A_1 : i32
    %rem3A = arith.constant 128 : i32
    %rem3A_3 = arith.remsi %mul3A_2, %rem3A : i32
    %sub3A = arith.subi %mul3A_2, %rem3A_3 : i32
    %multiple_of3A = tpu.assume_multiple %sub3A, 128 : i32
    tpu.enqueue_dma source(%arg2 : memref<10240xf32, #tpu.memory_space<hbm>>) target(%arg6 : memref<10240xf32, #tpu.memory_space<vmem>>) target_semaphore(%arg10 : memref<!tpu.dma_semaphore, #tpu.memory_space<semaphore_mem>>)
    %dma_start3A = arith.constant 0 : i32
    %dma_start3A_4 = tpu.memref_slice %arg3[%dma_start3A, %multiple_of3A] : memref<2x320000xi32, #tpu.memory_space<hbm>> -> memref<2x10112xi32, #tpu.memory_space<hbm>>
    %dma_start3A_5 = arith.constant 0 : i32
    %dma_start3A_6 = tpu.memref_slice %arg3[%dma_start3A_5, %multiple_of3A] : memref<2x320000xi32, #tpu.memory_space<hbm>> -> memref<2x10112xi32, #tpu.memory_space<hbm>>
    tpu.enqueue_dma source(%dma_start3A_6 : memref<2x10112xi32, #tpu.memory_space<hbm>>) target(%arg7 : memref<2x10112xi32, #tpu.memory_space<vmem>>) target_semaphore(%arg10 : memref<!tpu.dma_semaphore, #tpu.memory_space<semaphore_mem>>)
    %dma_start3A_7 = tpu.memref_slice %arg4[%mul3A_2] : memref<320000xf32, #tpu.memory_space<hbm>> -> memref<10000xf32, #tpu.memory_space<hbm>>
    %dma_start3A_8 = tpu.memref_slice %arg4[%mul3A_2] : memref<320000xf32, #tpu.memory_space<hbm>> -> memref<10000xf32, #tpu.memory_space<hbm>>
    tpu.enqueue_dma source(%dma_start3A_8 : memref<10000xf32, #tpu.memory_space<hbm>>) target(%arg8 : memref<10000xf32, #tpu.memory_space<vmem>>) target_semaphore(%arg10 : memref<!tpu.dma_semaphore, #tpu.memory_space<semaphore_mem>>)
    %broadcast_in_dim3A = arith.constant 0.000000e+00 : f32
    %broadcast_in_dim3A_9 = vector.broadcast %broadcast_in_dim3A : f32 to vector<16xf32>
    %broadcast_in_dim3A_10 = arith.constant 10000 : i32
    %broadcast_in_dim3A_11 = vector.broadcast %broadcast_in_dim3A_10 : i32 to vector<16xi32>
    %broadcast_in_dim3A_12 = arith.constant 20000 : i32
    %broadcast_in_dim3A_13 = vector.broadcast %broadcast_in_dim3A_12 : i32 to vector<16xi32>
    %scan3A = arith.constant 0 : i32
    %scan3A_14 = arith.constant 0 : i32
    %scan3A_15 = arith.constant 1872 : i32
    %scan3A_16 = arith.addi %scan3A_14, %scan3A_15 : i32
    %scan3A_17 = arith.constant 4 : i32
    %scan3A_18 = scf.for %scan3A_82 = %scan3A_14 to %scan3A_16 step %scan3A_17 iter_args(%scan3A_83 = %scan3A) -> (i32)  : i32 {
      %mul3A_84 = arith.constant 16 : i32
      %mul3A_85 = arith.muli %scan3A_82, %mul3A_84 : i32
      %swap3A_86 = arith.index_cast %mul3A_85 : i32 to index
      %swap3A_87 = tpu.vector_load %arg9[%swap3A_86] {strides = array<i32>} : memref<30000xf32, #tpu.memory_space<vmem>>, vector<16xf32>,
      tpu.vector_store %arg9[%swap3A_86], %broadcast_in_dim3A_9 {strides = array<i32>} : memref<30000xf32, #tpu.memory_space<vmem>>, vector<16xf32>,
      %scan3A_88 = arith.constant 0 : i32
      %scan3A_89 = arith.constant 1 : i32
      %scan3A_90 = arith.addi %scan3A_82, %scan3A_89 : i32
      %mul3A_91 = arith.constant 16 : i32
      %mul3A_92 = arith.muli %scan3A_90, %mul3A_91 : i32
      %swap3A_93 = arith.index_cast %mul3A_92 : i32 to index
      %swap3A_94 = tpu.vector_load %arg9[%swap3A_93] {strides = array<i32>} : memref<30000xf32, #tpu.memory_space<vmem>>, vector<16xf32>,
      tpu.vector_store %arg9[%swap3A_93], %broadcast_in_dim3A_9 {strides = array<i32>} : memref<30000xf32, #tpu.memory_space<vmem>>, vector<16xf32>,
      %scan3A_95 = arith.constant 0 : i32
      %scan3A_96 = arith.constant 2 : i32
      %scan3A_97 = arith.addi %scan3A_82, %scan3A_96 : i32
      %mul3A_98 = arith.constant 16 : i32
      %mul3A_99 = arith.muli %scan3A_97, %mul3A_98 : i32
      %swap3A_100 = arith.index_cast %mul3A_99 : i32 to index
      %swap3A_101 = tpu.vector_load %arg9[%swap3A_100] {strides = array<i32>} : memref<30000xf32, #tpu.memory_space<vmem>>, vector<16xf32>,
      tpu.vector_store %arg9[%swap3A_100], %broadcast_in_dim3A_9 {strides = array<i32>} : memref<30000xf32, #tpu.memory_space<vmem>>, vector<16xf32>,
      %scan3A_102 = arith.constant 0 : i32
      %scan3A_103 = arith.constant 3 : i32
      %scan3A_104 = arith.addi %scan3A_82, %scan3A_103 : i32
      %mul3A_105 = arith.constant 16 : i32
      %mul3A_106 = arith.muli %scan3A_104, %mul3A_105 : i32
      %swap3A_107 = arith.index_cast %mul3A_106 : i32 to index
      %swap3A_108 = tpu.vector_load %arg9[%swap3A_107] {strides = array<i32>} : memref<30000xf32, #tpu.memory_space<vmem>>, vector<16xf32>,
      tpu.vector_store %arg9[%swap3A_107], %broadcast_in_dim3A_9 {strides = array<i32>} : memref<30000xf32, #tpu.memory_space<vmem>>, vector<16xf32>,
      %scan3A_109 = arith.constant 0 : i32
      scf.yield %scan3A_109 : i32
    }
    %scan3A_19 = arith.constant 1872 : i32
    %scan3A_20 = arith.addi %scan3A_14, %scan3A_19 : i32
    %mul3A_21 = arith.constant 16 : i32
    %mul3A_22 = arith.muli %scan3A_20, %mul3A_21 : i32
    %swap3A = arith.index_cast %mul3A_22 : i32 to index
    %swap3A_23 = tpu.vector_load %arg9[%swap3A] {strides = array<i32>} : memref<30000xf32, #tpu.memory_space<vmem>>, vector<16xf32>,
    tpu.vector_store %arg9[%swap3A], %broadcast_in_dim3A_9 {strides = array<i32>} : memref<30000xf32, #tpu.memory_space<vmem>>, vector<16xf32>,
    %scan3A_24 = arith.constant 0 : i32
    %scan3A_25 = arith.constant 1873 : i32
    %scan3A_26 = arith.addi %scan3A_14, %scan3A_25 : i32
    %mul3A_27 = arith.constant 16 : i32
    %mul3A_28 = arith.muli %scan3A_26, %mul3A_27 : i32
    %swap3A_29 = arith.index_cast %mul3A_28 : i32 to index
    %swap3A_30 = tpu.vector_load %arg9[%swap3A_29] {strides = array<i32>} : memref<30000xf32, #tpu.memory_space<vmem>>, vector<16xf32>,
    tpu.vector_store %arg9[%swap3A_29], %broadcast_in_dim3A_9 {strides = array<i32>} : memref<30000xf32, #tpu.memory_space<vmem>>, vector<16xf32>,
    %scan3A_31 = arith.constant 0 : i32
    %scan3A_32 = arith.constant 1874 : i32
    %scan3A_33 = arith.addi %scan3A_14, %scan3A_32 : i32
    %mul3A_34 = arith.constant 16 : i32
    %mul3A_35 = arith.muli %scan3A_33, %mul3A_34 : i32
    %swap3A_36 = arith.index_cast %mul3A_35 : i32 to index
    %swap3A_37 = tpu.vector_load %arg9[%swap3A_36] {strides = array<i32>} : memref<30000xf32, #tpu.memory_space<vmem>>, vector<16xf32>,
    tpu.vector_store %arg9[%swap3A_36], %broadcast_in_dim3A_9 {strides = array<i32>} : memref<30000xf32, #tpu.memory_space<vmem>>, vector<16xf32>,
    %scan3A_38 = arith.constant 0 : i32
    %scan3A_39 = arith.constant 1875 : i32
    tpu.wait_dma2 semaphore(%arg10 : memref<!tpu.dma_semaphore, #tpu.memory_space<semaphore_mem>>) src(%arg2 : memref<10240xf32, #tpu.memory_space<hbm>>) dst(%arg6 : memref<10240xf32, #tpu.memory_space<vmem>>)
    %dma_wait3A = arith.constant 0 : i32
    %dma_wait3A_40 = tpu.memref_slice %arg3[%dma_wait3A, %multiple_of3A] : memref<2x320000xi32, #tpu.memory_space<hbm>> -> memref<2x10112xi32, #tpu.memory_space<hbm>>
    %dma_wait3A_41 = arith.constant 0 : i32
    %dma_wait3A_42 = tpu.memref_slice %arg3[%dma_wait3A_41, %multiple_of3A] : memref<2x320000xi32, #tpu.memory_space<hbm>> -> memref<2x10112xi32, #tpu.memory_space<hbm>>
    tpu.wait_dma2 semaphore(%arg10 : memref<!tpu.dma_semaphore, #tpu.memory_space<semaphore_mem>>) src(%dma_wait3A_42 : memref<2x10112xi32, #tpu.memory_space<hbm>>) dst(%arg7 : memref<2x10112xi32, #tpu.memory_space<vmem>>)
    %dma_wait3A_43 = tpu.memref_slice %arg4[%mul3A_2] : memref<320000xf32, #tpu.memory_space<hbm>> -> memref<10000xf32, #tpu.memory_space<hbm>>
    %dma_wait3A_44 = tpu.memref_slice %arg4[%mul3A_2] : memref<320000xf32, #tpu.memory_space<hbm>> -> memref<10000xf32, #tpu.memory_space<hbm>>
    tpu.wait_dma2 semaphore(%arg10 : memref<!tpu.dma_semaphore, #tpu.memory_space<semaphore_mem>>) src(%dma_wait3A_44 : memref<10000xf32, #tpu.memory_space<hbm>>) dst(%arg8 : memref<10000xf32, #tpu.memory_space<vmem>>)
    %mul3A_45 = arith.constant 30720 : i32
    %mul3A_46 = arith.muli %add3A, %mul3A_45 : i32
    %scan3A_47 = arith.constant 0 : i32
    %scan3A_48 = arith.constant 0 : i32
    %scan3A_49 = arith.constant 624 : i32
    %scan3A_50 = arith.addi %scan3A_48, %scan3A_49 : i32
    %scan3A_51 = arith.constant 2 : i32
    %scan3A_52 = scf.for %scan3A_82 = %scan3A_48 to %scan3A_50 step %scan3A_51 iter_args(%scan3A_83 = %scan3A_47) -> (i32)  : i32 {
      %mul3A_84 = arith.constant 16 : i32
      %mul3A_85 = arith.muli %scan3A_82, %mul3A_84 : i32
      %add3A_86 = arith.addi %rem3A_3, %mul3A_85 : i32
      %get3A_87 = arith.constant 0 : i32
      %get3A_88 = arith.index_cast %get3A_87 : i32 to index
      %get3A_89 = arith.index_cast %add3A_86 : i32 to index
      %get3A_90 = tpu.vector_load %arg7[%get3A_88, %get3A_89] {strides = array<i32>} : memref<2x10112xi32, #tpu.memory_space<vmem>>, vector<16xi32>,
      %get3A_91 = arith.constant 1 : i32
      %get3A_92 = arith.index_cast %get3A_91 : i32 to index
      %get3A_93 = arith.index_cast %add3A_86 : i32 to index
      %get3A_94 = tpu.vector_load %arg7[%get3A_92, %get3A_93] {strides = array<i32>} : memref<2x10112xi32, #tpu.memory_space<vmem>>, vector<16xi32>,
      %mul3A_95 = arith.constant 16 : i32
      %mul3A_96 = arith.muli %scan3A_82, %mul3A_95 : i32
      %get3A_97 = arith.index_cast %mul3A_96 : i32 to index
      %get3A_98 = tpu.vector_load %arg8[%get3A_97] {strides = array<i32>} : memref<10000xf32, #tpu.memory_space<vmem>>, vector<16xf32>,
      %gather3A_99 = tpu.vector_load_idx %arg6[%get3A_94] : memref<10240xf32, #tpu.memory_space<vmem>>[vector<16xi32>], vector<16xf32>,
      %mul3A_100 = arith.mulf %get3A_98, %gather3A_99 : vector<16xf32>
      %mul3A_101 = arith.mulf %get3A_98, %get3A_98 : vector<16xf32>
      %mul3A_102 = arith.mulf %mul3A_101, %gather3A_99 : vector<16xf32>
      %mul3A_103 = arith.mulf %mul3A_101, %mul3A_101 : vector<16xf32>
      %mul3A_104 = arith.mulf %mul3A_103, %mul3A_102 : vector<16xf32>
      tpu.vector_store_idx %arg9[%get3A_90], %mul3A_100 {add = true} : memref<30000xf32, #tpu.memory_space<vmem>>[vector<16xi32>], vector<16xf32>,
      %add3A_105 = arith.addi %get3A_90, %broadcast_in_dim3A_11 : vector<16xi32>
      tpu.vector_store_idx %arg9[%add3A_105], %mul3A_102 {add = true} : memref<30000xf32, #tpu.memory_space<vmem>>[vector<16xi32>], vector<16xf32>,
      %add3A_106 = arith.addi %get3A_90, %broadcast_in_dim3A_13 : vector<16xi32>
      tpu.vector_store_idx %arg9[%add3A_106], %mul3A_104 {add = true} : memref<30000xf32, #tpu.memory_space<vmem>>[vector<16xi32>], vector<16xf32>,
      %scan3A_107 = arith.constant 0 : i32
      %scan3A_108 = arith.constant 1 : i32
      %scan3A_109 = arith.addi %scan3A_82, %scan3A_108 : i32
      %mul3A_110 = arith.constant 16 : i32
      %mul3A_111 = arith.muli %scan3A_109, %mul3A_110 : i32
      %add3A_112 = arith.addi %rem3A_3, %mul3A_111 : i32
      %get3A_113 = arith.constant 0 : i32
      %get3A_114 = arith.index_cast %get3A_113 : i32 to index
      %get3A_115 = arith.index_cast %add3A_112 : i32 to index
      %get3A_116 = tpu.vector_load %arg7[%get3A_114, %get3A_115] {strides = array<i32>} : memref<2x10112xi32, #tpu.memory_space<vmem>>, vector<16xi32>,
      %get3A_117 = arith.constant 1 : i32
      %get3A_118 = arith.index_cast %get3A_117 : i32 to index
      %get3A_119 = arith.index_cast %add3A_112 : i32 to index
      %get3A_120 = tpu.vector_load %arg7[%get3A_118, %get3A_119] {strides = array<i32>} : memref<2x10112xi32, #tpu.memory_space<vmem>>, vector<16xi32>,
      %mul3A_121 = arith.constant 16 : i32
      %mul3A_122 = arith.muli %scan3A_109, %mul3A_121 : i32
      %get3A_123 = arith.index_cast %mul3A_122 : i32 to index
      %get3A_124 = tpu.vector_load %arg8[%get3A_123] {strides = array<i32>} : memref<10000xf32, #tpu.memory_space<vmem>>, vector<16xf32>,
      %gather3A_125 = tpu.vector_load_idx %arg6[%get3A_120] : memref<10240xf32, #tpu.memory_space<vmem>>[vector<16xi32>], vector<16xf32>,
      %mul3A_126 = arith.mulf %get3A_124, %gather3A_125 : vector<16xf32>
      %mul3A_127 = arith.mulf %get3A_124, %get3A_124 : vector<16xf32>
      %mul3A_128 = arith.mulf %mul3A_127, %gather3A_125 : vector<16xf32>
      %mul3A_129 = arith.mulf %mul3A_127, %mul3A_127 : vector<16xf32>
      %mul3A_130 = arith.mulf %mul3A_129, %mul3A_128 : vector<16xf32>
      tpu.vector_store_idx %arg9[%get3A_116], %mul3A_126 {add = true} : memref<30000xf32, #tpu.memory_space<vmem>>[vector<16xi32>], vector<16xf32>,
      %add3A_131 = arith.addi %get3A_116, %broadcast_in_dim3A_11 : vector<16xi32>
      tpu.vector_store_idx %arg9[%add3A_131], %mul3A_128 {add = true} : memref<30000xf32, #tpu.memory_space<vmem>>[vector<16xi32>], vector<16xf32>,
      %add3A_132 = arith.addi %get3A_116, %broadcast_in_dim3A_13 : vector<16xi32>
      tpu.vector_store_idx %arg9[%add3A_132], %mul3A_130 {add = true} : memref<30000xf32, #tpu.memory_space<vmem>>[vector<16xi32>], vector<16xf32>,
      %scan3A_133 = arith.constant 0 : i32
      scf.yield %scan3A_133 : i32
    }
    %scan3A_53 = arith.constant 624 : i32
    %scan3A_54 = arith.addi %scan3A_48, %scan3A_53 : i32
    %mul3A_55 = arith.constant 16 : i32
    %mul3A_56 = arith.muli %scan3A_54, %mul3A_55 : i32
    %add3A_57 = arith.addi %rem3A_3, %mul3A_56 : i32
    %get3A = arith.constant 0 : i32
    %get3A_58 = arith.index_cast %get3A : i32 to index
    %get3A_59 = arith.index_cast %add3A_57 : i32 to index
    %get3A_60 = tpu.vector_load %arg7[%get3A_58, %get3A_59] {strides = array<i32>} : memref<2x10112xi32, #tpu.memory_space<vmem>>, vector<16xi32>,
    %get3A_61 = arith.constant 1 : i32
    %get3A_62 = arith.index_cast %get3A_61 : i32 to index
    %get3A_63 = arith.index_cast %add3A_57 : i32 to index
    %get3A_64 = tpu.vector_load %arg7[%get3A_62, %get3A_63] {strides = array<i32>} : memref<2x10112xi32, #tpu.memory_space<vmem>>, vector<16xi32>,
    %mul3A_65 = arith.constant 16 : i32
    %mul3A_66 = arith.muli %scan3A_54, %mul3A_65 : i32
    %get3A_67 = arith.index_cast %mul3A_66 : i32 to index
    %get3A_68 = tpu.vector_load %arg8[%get3A_67] {strides = array<i32>} : memref<10000xf32, #tpu.memory_space<vmem>>, vector<16xf32>,
    %gather3A = tpu.vector_load_idx %arg6[%get3A_64] : memref<10240xf32, #tpu.memory_space<vmem>>[vector<16xi32>], vector<16xf32>,
    %mul3A_69 = arith.mulf %get3A_68, %gather3A : vector<16xf32>
    %mul3A_70 = arith.mulf %get3A_68, %get3A_68 : vector<16xf32>
    %mul3A_71 = arith.mulf %mul3A_70, %gather3A : vector<16xf32>
    %mul3A_72 = arith.mulf %mul3A_70, %mul3A_70 : vector<16xf32>
    %mul3A_73 = arith.mulf %mul3A_72, %mul3A_71 : vector<16xf32>
    tpu.vector_store_idx %arg9[%get3A_60], %mul3A_69 {add = true} : memref<30000xf32, #tpu.memory_space<vmem>>[vector<16xi32>], vector<16xf32>,
    %add3A_74 = arith.addi %get3A_60, %broadcast_in_dim3A_11 : vector<16xi32>
    tpu.vector_store_idx %arg9[%add3A_74], %mul3A_71 {add = true} : memref<30000xf32, #tpu.memory_space<vmem>>[vector<16xi32>], vector<16xf32>,
    %add3A_75 = arith.addi %get3A_60, %broadcast_in_dim3A_13 : vector<16xi32>
    tpu.vector_store_idx %arg9[%add3A_75], %mul3A_73 {add = true} : memref<30000xf32, #tpu.memory_space<vmem>>[vector<16xi32>], vector<16xf32>,
    %scan3A_76 = arith.constant 0 : i32
    %scan3A_77 = arith.constant 625 : i32
    "tpu.region"() ({
      %run_scoped3A = tpu.sem_alloc : memref<!tpu.dma_semaphore, #tpu.memory_space<semaphore_mem>>
      %dma_start3A_82 = arith.constant 0 : i32
      %dma_start3A_83 = tpu.memref_slice %arg9[%dma_start3A_82] : memref<30000xf32, #tpu.memory_space<vmem>> -> memref<10000xf32, #tpu.memory_space<vmem>>
      %dma_start3A_84 = tpu.memref_slice %arg5[%mul3A_46] : memref<983040xf32, #tpu.memory_space<hbm>> -> memref<10000xf32, #tpu.memory_space<hbm>>
      %dma_start3A_85 = tpu.memref_slice %arg5[%mul3A_46] : memref<983040xf32, #tpu.memory_space<hbm>> -> memref<10000xf32, #tpu.memory_space<hbm>>
      %dma_start3A_86 = arith.constant 0 : i32
      %dma_start3A_87 = tpu.memref_slice %arg9[%dma_start3A_86] : memref<30000xf32, #tpu.memory_space<vmem>> -> memref<10000xf32, #tpu.memory_space<vmem>>
      tpu.enqueue_dma source(%dma_start3A_87 : memref<10000xf32, #tpu.memory_space<vmem>>) target(%dma_start3A_85 : memref<10000xf32, #tpu.memory_space<hbm>>) target_semaphore(%run_scoped3A : memref<!tpu.dma_semaphore, #tpu.memory_space<semaphore_mem>>)
      %dma_wait3A_88 = arith.constant 0 : i32
      %dma_wait3A_89 = tpu.memref_slice %arg9[%dma_wait3A_88] : memref<30000xf32, #tpu.memory_space<vmem>> -> memref<10000xf32, #tpu.memory_space<vmem>>
      %dma_wait3A_90 = tpu.memref_slice %arg5[%mul3A_46] : memref<983040xf32, #tpu.memory_space<hbm>> -> memref<10000xf32, #tpu.memory_space<hbm>>
      %dma_wait3A_91 = tpu.memref_slice %arg5[%mul3A_46] : memref<983040xf32, #tpu.memory_space<hbm>> -> memref<10000xf32, #tpu.memory_space<hbm>>
      %dma_wait3A_92 = arith.constant 0 : i32
      %dma_wait3A_93 = tpu.memref_slice %arg9[%dma_wait3A_92] : memref<30000xf32, #tpu.memory_space<vmem>> -> memref<10000xf32, #tpu.memory_space<vmem>>
      tpu.wait_dma2 semaphore(%run_scoped3A : memref<!tpu.dma_semaphore, #tpu.memory_space<semaphore_mem>>) src(%dma_wait3A_93 : memref<10000xf32, #tpu.memory_space<vmem>>) dst(%dma_wait3A_91 : memref<10000xf32, #tpu.memory_space<hbm>>)
      tpu.yield
    }) : () -> ()
    %add3A_78 = arith.constant 10240 : i32
    %add3A_79 = arith.addi %mul3A_46, %add3A_78 : i32
    "tpu.region"() ({
      %run_scoped3A = tpu.sem_alloc : memref<!tpu.dma_semaphore, #tpu.memory_space<semaphore_mem>>
      %dma_start3A_82 = arith.constant 10000 : i32
      %dma_start3A_83 = tpu.memref_slice %arg9[%dma_start3A_82] : memref<30000xf32, #tpu.memory_space<vmem>> -> memref<10000xf32, #tpu.memory_space<vmem>>
      %dma_start3A_84 = tpu.memref_slice %arg5[%add3A_79] : memref<983040xf32, #tpu.memory_space<hbm>> -> memref<10000xf32, #tpu.memory_space<hbm>>
      %dma_start3A_85 = tpu.memref_slice %arg5[%add3A_79] : memref<983040xf32, #tpu.memory_space<hbm>> -> memref<10000xf32, #tpu.memory_space<hbm>>
      %dma_start3A_86 = arith.constant 10000 : i32
      %dma_start3A_87 = tpu.memref_slice %arg9[%dma_start3A_86] : memref<30000xf32, #tpu.memory_space<vmem>> -> memref<10000xf32, #tpu.memory_space<vmem>>
      tpu.enqueue_dma source(%dma_start3A_87 : memref<10000xf32, #tpu.memory_space<vmem>>) target(%dma_start3A_85 : memref<10000xf32, #tpu.memory_space<hbm>>) target_semaphore(%run_scoped3A : memref<!tpu.dma_semaphore, #tpu.memory_space<semaphore_mem>>)
      %dma_wait3A_88 = arith.constant 10000 : i32
      %dma_wait3A_89 = tpu.memref_slice %arg9[%dma_wait3A_88] : memref<30000xf32, #tpu.memory_space<vmem>> -> memref<10000xf32, #tpu.memory_space<vmem>>
      %dma_wait3A_90 = tpu.memref_slice %arg5[%add3A_79] : memref<983040xf32, #tpu.memory_space<hbm>> -> memref<10000xf32, #tpu.memory_space<hbm>>
      %dma_wait3A_91 = tpu.memref_slice %arg5[%add3A_79] : memref<983040xf32, #tpu.memory_space<hbm>> -> memref<10000xf32, #tpu.memory_space<hbm>>
      %dma_wait3A_92 = arith.constant 10000 : i32
      %dma_wait3A_93 = tpu.memref_slice %arg9[%dma_wait3A_92] : memref<30000xf32, #tpu.memory_space<vmem>> -> memref<10000xf32, #tpu.memory_space<vmem>>
      tpu.wait_dma2 semaphore(%run_scoped3A : memref<!tpu.dma_semaphore, #tpu.memory_space<semaphore_mem>>) src(%dma_wait3A_93 : memref<10000xf32, #tpu.memory_space<vmem>>) dst(%dma_wait3A_91 : memref<10000xf32, #tpu.memory_space<hbm>>)
      tpu.yield
    }) : () -> ()
    %add3A_80 = arith.constant 20480 : i32
    %add3A_81 = arith.addi %mul3A_46, %add3A_80 : i32
    "tpu.region"() ({
      %run_scoped3A = tpu.sem_alloc : memref<!tpu.dma_semaphore, #tpu.memory_space<semaphore_mem>>
      %dma_start3A_82 = arith.constant 20000 : i32
      %dma_start3A_83 = tpu.memref_slice %arg9[%dma_start3A_82] : memref<30000xf32, #tpu.memory_space<vmem>> -> memref<10000xf32, #tpu.memory_space<vmem>>
      %dma_start3A_84 = tpu.memref_slice %arg5[%add3A_81] : memref<983040xf32, #tpu.memory_space<hbm>> -> memref<10000xf32, #tpu.memory_space<hbm>>
      %dma_start3A_85 = tpu.memref_slice %arg5[%add3A_81] : memref<983040xf32, #tpu.memory_space<hbm>> -> memref<10000xf32, #tpu.memory_space<hbm>>
      %dma_start3A_86 = arith.constant 20000 : i32
      %dma_start3A_87 = tpu.memref_slice %arg9[%dma_start3A_86] : memref<30000xf32, #tpu.memory_space<vmem>> -> memref<10000xf32, #tpu.memory_space<vmem>>
      tpu.enqueue_dma source(%dma_start3A_87 : memref<10000xf32, #tpu.memory_space<vmem>>) target(%dma_start3A_85 : memref<10000xf32, #tpu.memory_space<hbm>>) target_semaphore(%run_scoped3A : memref<!tpu.dma_semaphore, #tpu.memory_space<semaphore_mem>>)
      %dma_wait3A_88 = arith.constant 20000 : i32
      %dma_wait3A_89 = tpu.memref_slice %arg9[%dma_wait3A_88] : memref<30000xf32, #tpu.memory_space<vmem>> -> memref<10000xf32, #tpu.memory_space<vmem>>
      %dma_wait3A_90 = tpu.memref_slice %arg5[%add3A_81] : memref<983040xf32, #tpu.memory_space<hbm>> -> memref<10000xf32, #tpu.memory_space<hbm>>
      %dma_wait3A_91 = tpu.memref_slice %arg5[%add3A_81] : memref<983040xf32, #tpu.memory_space<hbm>> -> memref<10000xf32, #tpu.memory_space<hbm>>
      %dma_wait3A_92 = arith.constant 20000 : i32
      %dma_wait3A_93 = tpu.memref_slice %arg9[%dma_wait3A_92] : memref<30000xf32, #tpu.memory_space<vmem>> -> memref<10000xf32, #tpu.memory_space<vmem>>
      tpu.wait_dma2 semaphore(%run_scoped3A : memref<!tpu.dma_semaphore, #tpu.memory_space<semaphore_mem>>) src(%dma_wait3A_93 : memref<10000xf32, #tpu.memory_space<vmem>>) dst(%dma_wait3A_91 : memref<10000xf32, #tpu.memory_space<hbm>>)
      tpu.yield
    }) : () -> ()
    return
  }
}

module attributes {stable_mosaic.version = 14 : i64} {
  func.func @_rowsum_body(%arg0: i32, %arg1: memref<5120x128xf32, #tpu.memory_space<vmem>>, %arg2: memref<5120xf32, #tpu.memory_space<vmem>>) attributes {dimension_semantics = [#tpu.dimension_semantics<arbitrary>], iteration_bounds = array<i64: 2>, scalar_prefetch = 0 : i64, scratch_operands = 0 : i64, tpu.core_type = #tpu.core_type<tc>, window_params = [{transform_indices = @transform_0, window_bounds = array<i64: 5120, 128>}, {transform_indices = @transform_1, window_bounds = array<i64: 5120>}]} {
    %get3A = arith.constant 0 : index
    %get3A_0 = arith.constant 0 : index
    %get3A_1 = vector.load %arg1[%get3A, %get3A_0] : memref<5120x128xf32, #tpu.memory_space<vmem>>, vector<5120x128xf32>
    %reduce_sum3A = arith.constant dense<0.000000e+00> : vector<5120xf32>
    %reduce_sum3A_2 = vector.multi_reduction <add>, %get3A_1, %reduce_sum3A [1] : vector<5120x128xf32> to vector<5120xf32>
    %swap3A = arith.constant 0 : index
    %swap3A_3 = vector.load %arg2[%swap3A] : memref<5120xf32, #tpu.memory_space<vmem>>, vector<5120xf32>
    tpu.vector_store %arg2[%swap3A], %reduce_sum3A_2 {strides = array<i32>} : memref<5120xf32, #tpu.memory_space<vmem>>, vector<5120xf32>,
    return
  }
  func.func @transform_0(%arg0: i32) -> (i32, i32) {
    %c0_i32 = arith.constant 0 : i32
    %c0_i32_0 = arith.constant 0 : i32
    return %arg0, %c0_i32 : i32, i32
  }
  func.func @transform_1(%arg0: i32) -> i32 {
    %c0_i32 = arith.constant 0 : i32
    return %arg0 : i32
  }
}

module attributes {stable_mosaic.version = 14 : i64} {
  func.func @_final_body(%arg0: i32, %arg1: memref<32x3x16x128xf32, #tpu.memory_space<vmem>>, %arg2: memref<128x4xf32, #tpu.memory_space<vmem>>, %arg3: memref<2048x128xf32, #tpu.memory_space<vmem>>) attributes {dimension_semantics = [#tpu.dimension_semantics<arbitrary>], iteration_bounds = array<i64: 5>, scalar_prefetch = 0 : i64, scratch_operands = 0 : i64, tpu.core_type = #tpu.core_type<tc>, window_params = [{transform_indices = @transform_0, window_bounds = array<i64: 32, 3, 16, 128>}, {pipeline_mode = #tpu.pipeline_mode<synchronous>, transform_indices = @transform_1, window_bounds = array<i64: 128, 4>}, {transform_indices = @transform_2, window_bounds = array<i64: 2048, 128>}]} {
    %get3A = arith.constant 0 : index
    %get3A_0 = arith.constant 0 : index
    %get3A_1 = arith.constant 0 : index
    %get3A_2 = arith.constant 0 : index
    %get3A_3 = vector.load %arg1[%get3A, %get3A_0, %get3A_1, %get3A_2] : memref<32x3x16x128xf32, #tpu.memory_space<vmem>>, vector<32x3x16x128xf32>
    %reduce_sum3A = arith.constant dense<0.000000e+00> : vector<3x16x128xf32>
    %reduce_sum3A_4 = vector.multi_reduction <add>, %get3A_3, %reduce_sum3A [0] : vector<32x3x16x128xf32> to vector<3x16x128xf32>
    %reshape3A = vector.shape_cast %reduce_sum3A_4 : vector<3x16x128xf32> to vector<48x128xf32>
    %transpose3A = tpu.transpose %reshape3A, [1, 0] : vector<48x128xf32> -> vector<128x48xf32>
    %get3A_5 = arith.constant 0 : index
    %get3A_6 = arith.constant 0 : index
    %get3A_7 = vector.load %arg2[%get3A_5, %get3A_6] : memref<128x4xf32, #tpu.memory_space<vmem>>, vector<128x4xf32>
    %transpose3A_8 = tpu.transpose %get3A_7, [1, 0] : vector<128x4xf32> -> vector<4x128xf32>
    %slice3A = vector.extract_strided_slice %transpose3A_8 {offsets = [0, 0], sizes = [1, 128], strides = [1, 1]} : vector<4x128xf32> to vector<1x128xf32>
    %slice3A_9 = vector.extract_strided_slice %transpose3A_8 {offsets = [1, 0], sizes = [1, 128], strides = [1, 1]} : vector<4x128xf32> to vector<1x128xf32>
    %add3A = arith.addf %slice3A, %slice3A_9 : vector<1x128xf32>
    %slice3A_10 = vector.extract_strided_slice %transpose3A_8 {offsets = [2, 0], sizes = [1, 128], strides = [1, 1]} : vector<4x128xf32> to vector<1x128xf32>
    %slice3A_11 = vector.extract_strided_slice %transpose3A_8 {offsets = [3, 0], sizes = [1, 128], strides = [1, 1]} : vector<4x128xf32> to vector<1x128xf32>
    %concatenate3A = tpu.concatenate %add3A, %slice3A_10, %slice3A_11 in 0 : vector<1x128xf32>, vector<1x128xf32>, vector<1x128xf32> -> vector<3x128xf32>
    %slice3A_12 = vector.extract_strided_slice %transpose3A {offsets = [0, 0], sizes = [128, 1], strides = [1, 1]} : vector<128x48xf32> to vector<128x1xf32>
    %slice3A_13 = vector.extract_strided_slice %transpose3A {offsets = [0, 16], sizes = [128, 1], strides = [1, 1]} : vector<128x48xf32> to vector<128x1xf32>
    %slice3A_14 = vector.extract_strided_slice %transpose3A {offsets = [0, 32], sizes = [128, 1], strides = [1, 1]} : vector<128x48xf32> to vector<128x1xf32>
    %concatenate3A_15 = tpu.concatenate %slice3A_12, %slice3A_13, %slice3A_14 in 1 : vector<128x1xf32>, vector<128x1xf32>, vector<128x1xf32> -> vector<128x3xf32>
    %dot_general3A = arith.constant dense<0.000000e+00> : vector<128x128xf32>
    %dot_general3A_16 = tpu.matmul %concatenate3A_15, %concatenate3A, %dot_general3A {dimension_numbers = #tpu.dot_dimension_numbers<[1], [0], [0], [1], [0, 0, 1, 1], [], []>, precision = #tpu.contract_precision<fp32>, transpose_lhs_hint = false} : vector<128x3xf32>, vector<3x128xf32>, vector<128x128xf32> -> vector<128x128xf32>
    %swap3A = arith.constant 0 : index
    %swap3A_17 = arith.constant 0 : index
    %swap3A_18 = vector.load %arg3[%swap3A, %swap3A_17] : memref<2048x128xf32, #tpu.memory_space<vmem>>, vector<128x128xf32>
    tpu.vector_store %arg3[%swap3A, %swap3A_17], %dot_general3A_16 {strides = array<i32>} : memref<2048x128xf32, #tpu.memory_space<vmem>>, vector<128x128xf32>,
    %slice3A_19 = vector.extract_strided_slice %transpose3A {offsets = [0, 1], sizes = [128, 1], strides = [1, 1]} : vector<128x48xf32> to vector<128x1xf32>
    %slice3A_20 = vector.extract_strided_slice %transpose3A {offsets = [0, 17], sizes = [128, 1], strides = [1, 1]} : vector<128x48xf32> to vector<128x1xf32>
    %slice3A_21 = vector.extract_strided_slice %transpose3A {offsets = [0, 33], sizes = [128, 1], strides = [1, 1]} : vector<128x48xf32> to vector<128x1xf32>
    %concatenate3A_22 = tpu.concatenate %slice3A_19, %slice3A_20, %slice3A_21 in 1 : vector<128x1xf32>, vector<128x1xf32>, vector<128x1xf32> -> vector<128x3xf32>
    %dot_general3A_23 = arith.constant dense<0.000000e+00> : vector<128x128xf32>
    %dot_general3A_24 = tpu.matmul %concatenate3A_22, %concatenate3A, %dot_general3A_23 {dimension_numbers = #tpu.dot_dimension_numbers<[1], [0], [0], [1], [0, 0, 1, 1], [], []>, precision = #tpu.contract_precision<fp32>, transpose_lhs_hint = false} : vector<128x3xf32>, vector<3x128xf32>, vector<128x128xf32> -> vector<128x128xf32>
    %swap3A_25 = arith.constant 128 : index
    %swap3A_26 = arith.constant 0 : index
    %swap3A_27 = vector.load %arg3[%swap3A_25, %swap3A_26] : memref<2048x128xf32, #tpu.memory_space<vmem>>, vector<128x128xf32>
    tpu.vector_store %arg3[%swap3A_25, %swap3A_26], %dot_general3A_24 {strides = array<i32>} : memref<2048x128xf32, #tpu.memory_space<vmem>>, vector<128x128xf32>,
    %slice3A_28 = vector.extract_strided_slice %transpose3A {offsets = [0, 2], sizes = [128, 1], strides = [1, 1]} : vector<128x48xf32> to vector<128x1xf32>
    %slice3A_29 = vector.extract_strided_slice %transpose3A {offsets = [0, 18], sizes = [128, 1], strides = [1, 1]} : vector<128x48xf32> to vector<128x1xf32>
    %slice3A_30 = vector.extract_strided_slice %transpose3A {offsets = [0, 34], sizes = [128, 1], strides = [1, 1]} : vector<128x48xf32> to vector<128x1xf32>
    %concatenate3A_31 = tpu.concatenate %slice3A_28, %slice3A_29, %slice3A_30 in 1 : vector<128x1xf32>, vector<128x1xf32>, vector<128x1xf32> -> vector<128x3xf32>
    %dot_general3A_32 = arith.constant dense<0.000000e+00> : vector<128x128xf32>
    %dot_general3A_33 = tpu.matmul %concatenate3A_31, %concatenate3A, %dot_general3A_32 {dimension_numbers = #tpu.dot_dimension_numbers<[1], [0], [0], [1], [0, 0, 1, 1], [], []>, precision = #tpu.contract_precision<fp32>, transpose_lhs_hint = false} : vector<128x3xf32>, vector<3x128xf32>, vector<128x128xf32> -> vector<128x128xf32>
    %swap3A_34 = arith.constant 256 : index
    %swap3A_35 = arith.constant 0 : index
    %swap3A_36 = vector.load %arg3[%swap3A_34, %swap3A_35] : memref<2048x128xf32, #tpu.memory_space<vmem>>, vector<128x128xf32>
    tpu.vector_store %arg3[%swap3A_34, %swap3A_35], %dot_general3A_33 {strides = array<i32>} : memref<2048x128xf32, #tpu.memory_space<vmem>>, vector<128x128xf32>,
    %slice3A_37 = vector.extract_strided_slice %transpose3A {offsets = [0, 3], sizes = [128, 1], strides = [1, 1]} : vector<128x48xf32> to vector<128x1xf32>
    %slice3A_38 = vector.extract_strided_slice %transpose3A {offsets = [0, 19], sizes = [128, 1], strides = [1, 1]} : vector<128x48xf32> to vector<128x1xf32>
    %slice3A_39 = vector.extract_strided_slice %transpose3A {offsets = [0, 35], sizes = [128, 1], strides = [1, 1]} : vector<128x48xf32> to vector<128x1xf32>
    %concatenate3A_40 = tpu.concatenate %slice3A_37, %slice3A_38, %slice3A_39 in 1 : vector<128x1xf32>, vector<128x1xf32>, vector<128x1xf32> -> vector<128x3xf32>
    %dot_general3A_41 = arith.constant dense<0.000000e+00> : vector<128x128xf32>
    %dot_general3A_42 = tpu.matmul %concatenate3A_40, %concatenate3A, %dot_general3A_41 {dimension_numbers = #tpu.dot_dimension_numbers<[1], [0], [0], [1], [0, 0, 1, 1], [], []>, precision = #tpu.contract_precision<fp32>, transpose_lhs_hint = false} : vector<128x3xf32>, vector<3x128xf32>, vector<128x128xf32> -> vector<128x128xf32>
    %swap3A_43 = arith.constant 384 : index
    %swap3A_44 = arith.constant 0 : index
    %swap3A_45 = vector.load %arg3[%swap3A_43, %swap3A_44] : memref<2048x128xf32, #tpu.memory_space<vmem>>, vector<128x128xf32>
    tpu.vector_store %arg3[%swap3A_43, %swap3A_44], %dot_general3A_42 {strides = array<i32>} : memref<2048x128xf32, #tpu.memory_space<vmem>>, vector<128x128xf32>,
    %slice3A_46 = vector.extract_strided_slice %transpose3A {offsets = [0, 4], sizes = [128, 1], strides = [1, 1]} : vector<128x48xf32> to vector<128x1xf32>
    %slice3A_47 = vector.extract_strided_slice %transpose3A {offsets = [0, 20], sizes = [128, 1], strides = [1, 1]} : vector<128x48xf32> to vector<128x1xf32>
    %slice3A_48 = vector.extract_strided_slice %transpose3A {offsets = [0, 36], sizes = [128, 1], strides = [1, 1]} : vector<128x48xf32> to vector<128x1xf32>
    %concatenate3A_49 = tpu.concatenate %slice3A_46, %slice3A_47, %slice3A_48 in 1 : vector<128x1xf32>, vector<128x1xf32>, vector<128x1xf32> -> vector<128x3xf32>
    %dot_general3A_50 = arith.constant dense<0.000000e+00> : vector<128x128xf32>
    %dot_general3A_51 = tpu.matmul %concatenate3A_49, %concatenate3A, %dot_general3A_50 {dimension_numbers = #tpu.dot_dimension_numbers<[1], [0], [0], [1], [0, 0, 1, 1], [], []>, precision = #tpu.contract_precision<fp32>, transpose_lhs_hint = false} : vector<128x3xf32>, vector<3x128xf32>, vector<128x128xf32> -> vector<128x128xf32>
    %swap3A_52 = arith.constant 512 : index
    %swap3A_53 = arith.constant 0 : index
    %swap3A_54 = vector.load %arg3[%swap3A_52, %swap3A_53] : memref<2048x128xf32, #tpu.memory_space<vmem>>, vector<128x128xf32>
    tpu.vector_store %arg3[%swap3A_52, %swap3A_53], %dot_general3A_51 {strides = array<i32>} : memref<2048x128xf32, #tpu.memory_space<vmem>>, vector<128x128xf32>,
    %slice3A_55 = vector.extract_strided_slice %transpose3A {offsets = [0, 5], sizes = [128, 1], strides = [1, 1]} : vector<128x48xf32> to vector<128x1xf32>
    %slice3A_56 = vector.extract_strided_slice %transpose3A {offsets = [0, 21], sizes = [128, 1], strides = [1, 1]} : vector<128x48xf32> to vector<128x1xf32>
    %slice3A_57 = vector.extract_strided_slice %transpose3A {offsets = [0, 37], sizes = [128, 1], strides = [1, 1]} : vector<128x48xf32> to vector<128x1xf32>
    %concatenate3A_58 = tpu.concatenate %slice3A_55, %slice3A_56, %slice3A_57 in 1 : vector<128x1xf32>, vector<128x1xf32>, vector<128x1xf32> -> vector<128x3xf32>
    %dot_general3A_59 = arith.constant dense<0.000000e+00> : vector<128x128xf32>
    %dot_general3A_60 = tpu.matmul %concatenate3A_58, %concatenate3A, %dot_general3A_59 {dimension_numbers = #tpu.dot_dimension_numbers<[1], [0], [0], [1], [0, 0, 1, 1], [], []>, precision = #tpu.contract_precision<fp32>, transpose_lhs_hint = false} : vector<128x3xf32>, vector<3x128xf32>, vector<128x128xf32> -> vector<128x128xf32>
    %swap3A_61 = arith.constant 640 : index
    %swap3A_62 = arith.constant 0 : index
    %swap3A_63 = vector.load %arg3[%swap3A_61, %swap3A_62] : memref<2048x128xf32, #tpu.memory_space<vmem>>, vector<128x128xf32>
    tpu.vector_store %arg3[%swap3A_61, %swap3A_62], %dot_general3A_60 {strides = array<i32>} : memref<2048x128xf32, #tpu.memory_space<vmem>>, vector<128x128xf32>,
    %slice3A_64 = vector.extract_strided_slice %transpose3A {offsets = [0, 6], sizes = [128, 1], strides = [1, 1]} : vector<128x48xf32> to vector<128x1xf32>
    %slice3A_65 = vector.extract_strided_slice %transpose3A {offsets = [0, 22], sizes = [128, 1], strides = [1, 1]} : vector<128x48xf32> to vector<128x1xf32>
    %slice3A_66 = vector.extract_strided_slice %transpose3A {offsets = [0, 38], sizes = [128, 1], strides = [1, 1]} : vector<128x48xf32> to vector<128x1xf32>
    %concatenate3A_67 = tpu.concatenate %slice3A_64, %slice3A_65, %slice3A_66 in 1 : vector<128x1xf32>, vector<128x1xf32>, vector<128x1xf32> -> vector<128x3xf32>
    %dot_general3A_68 = arith.constant dense<0.000000e+00> : vector<128x128xf32>
    %dot_general3A_69 = tpu.matmul %concatenate3A_67, %concatenate3A, %dot_general3A_68 {dimension_numbers = #tpu.dot_dimension_numbers<[1], [0], [0], [1], [0, 0, 1, 1], [], []>, precision = #tpu.contract_precision<fp32>, transpose_lhs_hint = false} : vector<128x3xf32>, vector<3x128xf32>, vector<128x128xf32> -> vector<128x128xf32>
    %swap3A_70 = arith.constant 768 : index
    %swap3A_71 = arith.constant 0 : index
    %swap3A_72 = vector.load %arg3[%swap3A_70, %swap3A_71] : memref<2048x128xf32, #tpu.memory_space<vmem>>, vector<128x128xf32>
    tpu.vector_store %arg3[%swap3A_70, %swap3A_71], %dot_general3A_69 {strides = array<i32>} : memref<2048x128xf32, #tpu.memory_space<vmem>>, vector<128x128xf32>,
    %slice3A_73 = vector.extract_strided_slice %transpose3A {offsets = [0, 7], sizes = [128, 1], strides = [1, 1]} : vector<128x48xf32> to vector<128x1xf32>
    %slice3A_74 = vector.extract_strided_slice %transpose3A {offsets = [0, 23], sizes = [128, 1], strides = [1, 1]} : vector<128x48xf32> to vector<128x1xf32>
    %slice3A_75 = vector.extract_strided_slice %transpose3A {offsets = [0, 39], sizes = [128, 1], strides = [1, 1]} : vector<128x48xf32> to vector<128x1xf32>
    %concatenate3A_76 = tpu.concatenate %slice3A_73, %slice3A_74, %slice3A_75 in 1 : vector<128x1xf32>, vector<128x1xf32>, vector<128x1xf32> -> vector<128x3xf32>
    %dot_general3A_77 = arith.constant dense<0.000000e+00> : vector<128x128xf32>
    %dot_general3A_78 = tpu.matmul %concatenate3A_76, %concatenate3A, %dot_general3A_77 {dimension_numbers = #tpu.dot_dimension_numbers<[1], [0], [0], [1], [0, 0, 1, 1], [], []>, precision = #tpu.contract_precision<fp32>, transpose_lhs_hint = false} : vector<128x3xf32>, vector<3x128xf32>, vector<128x128xf32> -> vector<128x128xf32>
    %swap3A_79 = arith.constant 896 : index
    %swap3A_80 = arith.constant 0 : index
    %swap3A_81 = vector.load %arg3[%swap3A_79, %swap3A_80] : memref<2048x128xf32, #tpu.memory_space<vmem>>, vector<128x128xf32>
    tpu.vector_store %arg3[%swap3A_79, %swap3A_80], %dot_general3A_78 {strides = array<i32>} : memref<2048x128xf32, #tpu.memory_space<vmem>>, vector<128x128xf32>,
    %slice3A_82 = vector.extract_strided_slice %transpose3A {offsets = [0, 8], sizes = [128, 1], strides = [1, 1]} : vector<128x48xf32> to vector<128x1xf32>
    %slice3A_83 = vector.extract_strided_slice %transpose3A {offsets = [0, 24], sizes = [128, 1], strides = [1, 1]} : vector<128x48xf32> to vector<128x1xf32>
    %slice3A_84 = vector.extract_strided_slice %transpose3A {offsets = [0, 40], sizes = [128, 1], strides = [1, 1]} : vector<128x48xf32> to vector<128x1xf32>
    %concatenate3A_85 = tpu.concatenate %slice3A_82, %slice3A_83, %slice3A_84 in 1 : vector<128x1xf32>, vector<128x1xf32>, vector<128x1xf32> -> vector<128x3xf32>
    %dot_general3A_86 = arith.constant dense<0.000000e+00> : vector<128x128xf32>
    %dot_general3A_87 = tpu.matmul %concatenate3A_85, %concatenate3A, %dot_general3A_86 {dimension_numbers = #tpu.dot_dimension_numbers<[1], [0], [0], [1], [0, 0, 1, 1], [], []>, precision = #tpu.contract_precision<fp32>, transpose_lhs_hint = false} : vector<128x3xf32>, vector<3x128xf32>, vector<128x128xf32> -> vector<128x128xf32>
    %swap3A_88 = arith.constant 1024 : index
    %swap3A_89 = arith.constant 0 : index
    %swap3A_90 = vector.load %arg3[%swap3A_88, %swap3A_89] : memref<2048x128xf32, #tpu.memory_space<vmem>>, vector<128x128xf32>
    tpu.vector_store %arg3[%swap3A_88, %swap3A_89], %dot_general3A_87 {strides = array<i32>} : memref<2048x128xf32, #tpu.memory_space<vmem>>, vector<128x128xf32>,
    %slice3A_91 = vector.extract_strided_slice %transpose3A {offsets = [0, 9], sizes = [128, 1], strides = [1, 1]} : vector<128x48xf32> to vector<128x1xf32>
    %slice3A_92 = vector.extract_strided_slice %transpose3A {offsets = [0, 25], sizes = [128, 1], strides = [1, 1]} : vector<128x48xf32> to vector<128x1xf32>
    %slice3A_93 = vector.extract_strided_slice %transpose3A {offsets = [0, 41], sizes = [128, 1], strides = [1, 1]} : vector<128x48xf32> to vector<128x1xf32>
    %concatenate3A_94 = tpu.concatenate %slice3A_91, %slice3A_92, %slice3A_93 in 1 : vector<128x1xf32>, vector<128x1xf32>, vector<128x1xf32> -> vector<128x3xf32>
    %dot_general3A_95 = arith.constant dense<0.000000e+00> : vector<128x128xf32>
    %dot_general3A_96 = tpu.matmul %concatenate3A_94, %concatenate3A, %dot_general3A_95 {dimension_numbers = #tpu.dot_dimension_numbers<[1], [0], [0], [1], [0, 0, 1, 1], [], []>, precision = #tpu.contract_precision<fp32>, transpose_lhs_hint = false} : vector<128x3xf32>, vector<3x128xf32>, vector<128x128xf32> -> vector<128x128xf32>
    %swap3A_97 = arith.constant 1152 : index
    %swap3A_98 = arith.constant 0 : index
    %swap3A_99 = vector.load %arg3[%swap3A_97, %swap3A_98] : memref<2048x128xf32, #tpu.memory_space<vmem>>, vector<128x128xf32>
    tpu.vector_store %arg3[%swap3A_97, %swap3A_98], %dot_general3A_96 {strides = array<i32>} : memref<2048x128xf32, #tpu.memory_space<vmem>>, vector<128x128xf32>,
    %slice3A_100 = vector.extract_strided_slice %transpose3A {offsets = [0, 10], sizes = [128, 1], strides = [1, 1]} : vector<128x48xf32> to vector<128x1xf32>
    %slice3A_101 = vector.extract_strided_slice %transpose3A {offsets = [0, 26], sizes = [128, 1], strides = [1, 1]} : vector<128x48xf32> to vector<128x1xf32>
    %slice3A_102 = vector.extract_strided_slice %transpose3A {offsets = [0, 42], sizes = [128, 1], strides = [1, 1]} : vector<128x48xf32> to vector<128x1xf32>
    %concatenate3A_103 = tpu.concatenate %slice3A_100, %slice3A_101, %slice3A_102 in 1 : vector<128x1xf32>, vector<128x1xf32>, vector<128x1xf32> -> vector<128x3xf32>
    %dot_general3A_104 = arith.constant dense<0.000000e+00> : vector<128x128xf32>
    %dot_general3A_105 = tpu.matmul %concatenate3A_103, %concatenate3A, %dot_general3A_104 {dimension_numbers = #tpu.dot_dimension_numbers<[1], [0], [0], [1], [0, 0, 1, 1], [], []>, precision = #tpu.contract_precision<fp32>, transpose_lhs_hint = false} : vector<128x3xf32>, vector<3x128xf32>, vector<128x128xf32> -> vector<128x128xf32>
    %swap3A_106 = arith.constant 1280 : index
    %swap3A_107 = arith.constant 0 : index
    %swap3A_108 = vector.load %arg3[%swap3A_106, %swap3A_107] : memref<2048x128xf32, #tpu.memory_space<vmem>>, vector<128x128xf32>
    tpu.vector_store %arg3[%swap3A_106, %swap3A_107], %dot_general3A_105 {strides = array<i32>} : memref<2048x128xf32, #tpu.memory_space<vmem>>, vector<128x128xf32>,
    %slice3A_109 = vector.extract_strided_slice %transpose3A {offsets = [0, 11], sizes = [128, 1], strides = [1, 1]} : vector<128x48xf32> to vector<128x1xf32>
    %slice3A_110 = vector.extract_strided_slice %transpose3A {offsets = [0, 27], sizes = [128, 1], strides = [1, 1]} : vector<128x48xf32> to vector<128x1xf32>
    %slice3A_111 = vector.extract_strided_slice %transpose3A {offsets = [0, 43], sizes = [128, 1], strides = [1, 1]} : vector<128x48xf32> to vector<128x1xf32>
    %concatenate3A_112 = tpu.concatenate %slice3A_109, %slice3A_110, %slice3A_111 in 1 : vector<128x1xf32>, vector<128x1xf32>, vector<128x1xf32> -> vector<128x3xf32>
    %dot_general3A_113 = arith.constant dense<0.000000e+00> : vector<128x128xf32>
    %dot_general3A_114 = tpu.matmul %concatenate3A_112, %concatenate3A, %dot_general3A_113 {dimension_numbers = #tpu.dot_dimension_numbers<[1], [0], [0], [1], [0, 0, 1, 1], [], []>, precision = #tpu.contract_precision<fp32>, transpose_lhs_hint = false} : vector<128x3xf32>, vector<3x128xf32>, vector<128x128xf32> -> vector<128x128xf32>
    %swap3A_115 = arith.constant 1408 : index
    %swap3A_116 = arith.constant 0 : index
    %swap3A_117 = vector.load %arg3[%swap3A_115, %swap3A_116] : memref<2048x128xf32, #tpu.memory_space<vmem>>, vector<128x128xf32>
    tpu.vector_store %arg3[%swap3A_115, %swap3A_116], %dot_general3A_114 {strides = array<i32>} : memref<2048x128xf32, #tpu.memory_space<vmem>>, vector<128x128xf32>,
    %slice3A_118 = vector.extract_strided_slice %transpose3A {offsets = [0, 12], sizes = [128, 1], strides = [1, 1]} : vector<128x48xf32> to vector<128x1xf32>
    %slice3A_119 = vector.extract_strided_slice %transpose3A {offsets = [0, 28], sizes = [128, 1], strides = [1, 1]} : vector<128x48xf32> to vector<128x1xf32>
    %slice3A_120 = vector.extract_strided_slice %transpose3A {offsets = [0, 44], sizes = [128, 1], strides = [1, 1]} : vector<128x48xf32> to vector<128x1xf32>
    %concatenate3A_121 = tpu.concatenate %slice3A_118, %slice3A_119, %slice3A_120 in 1 : vector<128x1xf32>, vector<128x1xf32>, vector<128x1xf32> -> vector<128x3xf32>
    %dot_general3A_122 = arith.constant dense<0.000000e+00> : vector<128x128xf32>
    %dot_general3A_123 = tpu.matmul %concatenate3A_121, %concatenate3A, %dot_general3A_122 {dimension_numbers = #tpu.dot_dimension_numbers<[1], [0], [0], [1], [0, 0, 1, 1], [], []>, precision = #tpu.contract_precision<fp32>, transpose_lhs_hint = false} : vector<128x3xf32>, vector<3x128xf32>, vector<128x128xf32> -> vector<128x128xf32>
    %swap3A_124 = arith.constant 1536 : index
    %swap3A_125 = arith.constant 0 : index
    %swap3A_126 = vector.load %arg3[%swap3A_124, %swap3A_125] : memref<2048x128xf32, #tpu.memory_space<vmem>>, vector<128x128xf32>
    tpu.vector_store %arg3[%swap3A_124, %swap3A_125], %dot_general3A_123 {strides = array<i32>} : memref<2048x128xf32, #tpu.memory_space<vmem>>, vector<128x128xf32>,
    %slice3A_127 = vector.extract_strided_slice %transpose3A {offsets = [0, 13], sizes = [128, 1], strides = [1, 1]} : vector<128x48xf32> to vector<128x1xf32>
    %slice3A_128 = vector.extract_strided_slice %transpose3A {offsets = [0, 29], sizes = [128, 1], strides = [1, 1]} : vector<128x48xf32> to vector<128x1xf32>
    %slice3A_129 = vector.extract_strided_slice %transpose3A {offsets = [0, 45], sizes = [128, 1], strides = [1, 1]} : vector<128x48xf32> to vector<128x1xf32>
    %concatenate3A_130 = tpu.concatenate %slice3A_127, %slice3A_128, %slice3A_129 in 1 : vector<128x1xf32>, vector<128x1xf32>, vector<128x1xf32> -> vector<128x3xf32>
    %dot_general3A_131 = arith.constant dense<0.000000e+00> : vector<128x128xf32>
    %dot_general3A_132 = tpu.matmul %concatenate3A_130, %concatenate3A, %dot_general3A_131 {dimension_numbers = #tpu.dot_dimension_numbers<[1], [0], [0], [1], [0, 0, 1, 1], [], []>, precision = #tpu.contract_precision<fp32>, transpose_lhs_hint = false} : vector<128x3xf32>, vector<3x128xf32>, vector<128x128xf32> -> vector<128x128xf32>
    %swap3A_133 = arith.constant 1664 : index
    %swap3A_134 = arith.constant 0 : index
    %swap3A_135 = vector.load %arg3[%swap3A_133, %swap3A_134] : memref<2048x128xf32, #tpu.memory_space<vmem>>, vector<128x128xf32>
    tpu.vector_store %arg3[%swap3A_133, %swap3A_134], %dot_general3A_132 {strides = array<i32>} : memref<2048x128xf32, #tpu.memory_space<vmem>>, vector<128x128xf32>,
    %slice3A_136 = vector.extract_strided_slice %transpose3A {offsets = [0, 14], sizes = [128, 1], strides = [1, 1]} : vector<128x48xf32> to vector<128x1xf32>
    %slice3A_137 = vector.extract_strided_slice %transpose3A {offsets = [0, 30], sizes = [128, 1], strides = [1, 1]} : vector<128x48xf32> to vector<128x1xf32>
    %slice3A_138 = vector.extract_strided_slice %transpose3A {offsets = [0, 46], sizes = [128, 1], strides = [1, 1]} : vector<128x48xf32> to vector<128x1xf32>
    %concatenate3A_139 = tpu.concatenate %slice3A_136, %slice3A_137, %slice3A_138 in 1 : vector<128x1xf32>, vector<128x1xf32>, vector<128x1xf32> -> vector<128x3xf32>
    %dot_general3A_140 = arith.constant dense<0.000000e+00> : vector<128x128xf32>
    %dot_general3A_141 = tpu.matmul %concatenate3A_139, %concatenate3A, %dot_general3A_140 {dimension_numbers = #tpu.dot_dimension_numbers<[1], [0], [0], [1], [0, 0, 1, 1], [], []>, precision = #tpu.contract_precision<fp32>, transpose_lhs_hint = false} : vector<128x3xf32>, vector<3x128xf32>, vector<128x128xf32> -> vector<128x128xf32>
    %swap3A_142 = arith.constant 1792 : index
    %swap3A_143 = arith.constant 0 : index
    %swap3A_144 = vector.load %arg3[%swap3A_142, %swap3A_143] : memref<2048x128xf32, #tpu.memory_space<vmem>>, vector<128x128xf32>
    tpu.vector_store %arg3[%swap3A_142, %swap3A_143], %dot_general3A_141 {strides = array<i32>} : memref<2048x128xf32, #tpu.memory_space<vmem>>, vector<128x128xf32>,
    %slice3A_145 = vector.extract_strided_slice %transpose3A {offsets = [0, 15], sizes = [128, 1], strides = [1, 1]} : vector<128x48xf32> to vector<128x1xf32>
    %slice3A_146 = vector.extract_strided_slice %transpose3A {offsets = [0, 31], sizes = [128, 1], strides = [1, 1]} : vector<128x48xf32> to vector<128x1xf32>
    %slice3A_147 = vector.extract_strided_slice %transpose3A {offsets = [0, 47], sizes = [128, 1], strides = [1, 1]} : vector<128x48xf32> to vector<128x1xf32>
    %concatenate3A_148 = tpu.concatenate %slice3A_145, %slice3A_146, %slice3A_147 in 1 : vector<128x1xf32>, vector<128x1xf32>, vector<128x1xf32> -> vector<128x3xf32>
    %dot_general3A_149 = arith.constant dense<0.000000e+00> : vector<128x128xf32>
    %dot_general3A_150 = tpu.matmul %concatenate3A_148, %concatenate3A, %dot_general3A_149 {dimension_numbers = #tpu.dot_dimension_numbers<[1], [0], [0], [1], [0, 0, 1, 1], [], []>, precision = #tpu.contract_precision<fp32>, transpose_lhs_hint = false} : vector<128x3xf32>, vector<3x128xf32>, vector<128x128xf32> -> vector<128x128xf32>
    %swap3A_151 = arith.constant 1920 : index
    %swap3A_152 = arith.constant 0 : index
    %swap3A_153 = vector.load %arg3[%swap3A_151, %swap3A_152] : memref<2048x128xf32, #tpu.memory_space<vmem>>, vector<128x128xf32>
    tpu.vector_store %arg3[%swap3A_151, %swap3A_152], %dot_general3A_150 {strides = array<i32>} : memref<2048x128xf32, #tpu.memory_space<vmem>>, vector<128x128xf32>,
    return
  }
  func.func @transform_0(%arg0: i32) -> (i32, i32, i32, i32) {
    %c0_i32 = arith.constant 0 : i32
    %c0_i32_0 = arith.constant 0 : i32
    %c0_i32_1 = arith.constant 0 : i32
    %c0_i32_2 = arith.constant 0 : i32
    return %c0_i32, %c0_i32_0, %arg0, %c0_i32_1 : i32, i32, i32, i32
  }
  func.func @transform_1(%arg0: i32) -> (i32, i32) {
    %c0_i32 = arith.constant 0 : i32
    %c0_i32_0 = arith.constant 0 : i32
    %c0_i32_1 = arith.constant 0 : i32
    return %c0_i32, %c0_i32_0 : i32, i32
  }
  func.func @transform_2(%arg0: i32) -> (i32, i32) {
    %c0_i32 = arith.constant 0 : i32
    %c0_i32_0 = arith.constant 0 : i32
    return %arg0, %c0_i32 : i32, i32
  }
}

</mosaic_0001>

<sc_bundles>
// kernel: kernel.5.cloned.1.call-start
scs
__scs_entry_jumppad:
0x0: {  	(pc) =	sbr.rel $0x88, $3  }
0x1: {  	(tag) =	ssettag $0x0;
	lr =	simm.s32 $0x1  }
0x2: {  	[smem:$0x3F9D] =	sst lr;
	_ =	strace $0xD0000000  }
0x3: {  	_ = 	snop  }
0x4: {  	_ = 	snop  }
0x5: {  	_ = 	snop  }
0x6: {  	_ = 	snop  }
0x7: {  	_ = 	snop  }
__scs_overlays_trampoline_lowered:
0x8: {  	[smem:$0x3FAC] =	sst s0  }
0x9: {  	[smem:$0x3FAD] =	sst s1  }
0xa: {  	[smem:$0x3FAE] =	sst s2  }
0xb: {  	[smem:$0x3FAF] =	sst s3  }
0xc: {  	[smem:$0x3FB0] =	sst s4  }
0xd: {  	[smem:$0x3FB1] =	sst s5  }
0xe: {  	[smem:$0x3FB2] =	sst s6  }
0xf: {  	[smem:$0x3FB3] =	sst s7  }
0x10: {  	[smem:$0x3FB4] =	sst s8  }
0x11: {  	[smem:$0x3FB5] =	sst s9;
	s0 =	simm.s32 @!p0 $0x0  }
0x12: {  	s1 =	sld [smem:$0x3F9B];
	s0 =	simm.s32 @p0 $0x1  }
0x13: {  	[smem:$0x3FB6] =	sst s0;
	s0 =	simm.s32 @!p1 $0x0  }
0x14: {  	s2 =	sld [smem:$0x3F9A];
	s0 =	simm.s32 @p1 $0x1  }
0x15: {  	[smem:$0x3FB7] =	sst s0;
	s0 =	simm.s32 @!p2 $0x0  }
0x16: {  	s3 =	sld [smem:$0x3FDB];
	s0 =	simm.s32 @p2 $0x1  }
0x17: {  	s4 =	simm.s32 $0x1BF5;
	[smem:$0x3FB9] =	sst s0  }
0x18: {  	s0 =	sld [smem:$0x3F9C];
	_ =	swait.ge [sflag:s4], $0x0  }
0x19: {  	s7 =	sld [smem:$0x3F9D]  }
0x1a: {  	s8 =	sadd.s32 $0xFFFFE003, lr  }
0x1b: {  	s9 =	sadd.s32 $0xFFFFFEF7, lr;
	s5 =	simm.s32 $0xFFFFFFFF;
	p2 =	slt.u32 s8, $0xFFFFF086  }
0x1c: {  	p1 =	slt.u32 s9, $0xF7A;
	s5 =	simm.s32 @!p2 $0x0  }
0x1d: {  	s5 =	simm.s32 @p1 $0x1;
	p0 =	seq.s32 s7, s2  }
0x1e: {  	s7 =	smul.u32 @!p0 $0xF7A, s2;
	p2 =	seq.s32 @!p0 s5, $0x0  }
0x1f: {  	s9 =	smul.u32 $0xF7A, s1;
	s8 =	simm.s32 @!p0 $0x1BF5;
	p2 =	por !p2, p0  }
0x20: {  	[sflag:s8] =	ssyncset.s32 @!p0 $0xFFFFF086;
	s6 =	sadd.s32 @!p0 s3, s7;
	s7 =	simm.s32 @!p0 $0x108  }
0x21: {  	s3 =	sadd.s32 s3, s9;
	s6 =	sadd.s32 @!p0 $0x88, s6;
	s7 =	simm.s32 @p2 $0x1082  }
0x22: {  	[simem:s7], [sflag:s8] =	dma.local @!p0 [hbm:s6], $0xF7A  }
0x23: {  	s9 =	sor.u32 $0xD0000000, s2;
	s6 =	simm.s32 $0x108;
	_ =	swait.ge @!p0 [sflag:s8], $0x0  }
0x24: {  	s3 =	sadd.s32 $0x88, s3;
	s6 =	simm.s32 @!p1 $0x1082;
	[sflag:s4] =	ssyncset.s32 $0xFFFFF086  }
0x25: {  	[simem:s6], [sflag:s4] =	dma.local [hbm:s3], $0xF7A  }
0x26: {  	[smem:$0x3F9D] =	sst s1;
	(tag) =	ssettag s2;
	_ =	strace s9  }
0x27: {  	s1 =	sld [smem:$0x3FAD]  }
0x28: {  	s2 =	sld [smem:$0x3FAE]  }
0x29: {  	s4 =	sld [smem:$0x3FB0]  }
0x2a: {  	p0 =	seq.s32 s5, $0x0;
	s5 =	sld [smem:$0x3FB1]  }
0x2b: {  	s6 =	sld [smem:$0x3FB2]  }
0x2c: {  	s7 =	sld [smem:$0x3FB3]  }
0x2d: {  	s3 =	simm.s32 $0x108;
	s8 =	sld [smem:$0x3FB4]  }
0x2e: {  	s3 =	simm.s32 @!p0 $0x1082;
	s9 =	sld [smem:$0x3FB5]  }
0x2f: {  	lr =	sadd.s32 s0, s3;
	s0 =	sld [smem:$0x3FAC]  }
0x30: {  	s3 =	sld [smem:$0x3FAF]  }
0x31: {  	[smem:$0x3FB8] =	sst s10  }
0x32: {  	s10 =	sld [smem:$0x3FB6];
	_ =	sdelay $0x3  }
0x33: {  	p0 =	seq.s32 s10, $0x1;
	s10 =	sld [smem:$0x3FB8];
	_ =	sdelay $0x3  }
0x34: {  	[smem:$0x3FB8] =	sst s10  }
0x35: {  	s10 =	sld [smem:$0x3FB7];
	_ =	sdelay $0x3  }
0x36: {  	p1 =	seq.s32 s10, $0x1;
	s10 =	sld [smem:$0x3FB8];
	_ =	sdelay $0x3  }
0x37: {  	[smem:$0x3FB8] =	sst s10  }
0x38: {  	s10 =	sld [smem:$0x3FB9]  }
0x39: {  	_ = 	snop;
	(pc) =	sbr.ind lr, $3  }
0x3a: {  	_ = 	snop  }
0x3b: {  	_ = 	snop  }
0x3c: {  	p2 =	seq.s32 s10, $0x1;
	s10 =	sld [smem:$0x3FB8]  }
0x3d: {  	_ =	shalt  }
0x3e: {  	_ =	shalt  }
0x3f: {  	_ =	shalt  }
0x40: {  	_ =	shalt  }
0x41: {  	_ =	shalt  }
0x42: {  	_ =	shalt  }
0x43: {  	_ =	shalt  }
0x44: {  	_ =	shalt  }
0x45: {  	_ =	shalt  }
0x46: {  	_ =	shalt  }
0x47: {  	_ =	shalt  }
0x48: {  	_ =	shalt  }
0x49: {  	_ =	shalt  }
0x4a: {  	_ =	shalt  }
0x4b: {  	_ =	shalt  }
0x4c: {  	_ =	shalt  }
0x4d: {  	_ =	shalt  }
0x4e: {  	_ =	shalt  }
0x4f: {  	_ =	shalt  }
0x50: {  	_ =	shalt  }
0x51: {  	_ =	shalt  }
0x52: {  	_ =	shalt  }
0x53: {  	_ =	shalt  }
0x54: {  	_ =	shalt  }
0x55: {  	_ =	shalt  }
0x56: {  	_ =	shalt  }
0x57: {  	_ =	shalt  }
0x58: {  	_ =	shalt  }
0x59: {  	_ =	shalt  }
0x5a: {  	_ =	shalt  }
0x5b: {  	_ =	shalt  }
0x5c: {  	_ =	shalt  }
0x5d: {  	_ =	shalt  }
0x5e: {  	_ =	shalt  }
0x5f: {  	_ =	shalt  }
0x60: {  	_ =	shalt  }
0x61: {  	_ =	shalt  }
0x62: {  	_ =	shalt  }
0x63: {  	_ =	shalt  }
0x64: {  	_ =	shalt  }
0x65: {  	_ =	shalt  }
0x66: {  	_ =	shalt  }
0x67: {  	_ =	shalt  }
0x68: {  	_ =	shalt  }
0x69: {  	_ =	shalt  }
0x6a: {  	_ =	shalt  }
0x6b: {  	_ =	shalt  }
0x6c: {  	_ =	shalt  }
0x6d: {  	_ =	shalt  }
0x6e: {  	_ =	shalt  }
0x6f: {  	_ =	shalt  }
0x70: {  	_ =	shalt  }
0x71: {  	_ =	shalt  }
0x72: {  	_ =	shalt  }
0x73: {  	_ =	shalt  }
0x74: {  	_ =	shalt  }
0x75: {  	_ =	shalt  }
0x76: {  	_ =	shalt  }
0x77: {  	_ =	shalt  }
0x78: {  	_ =	shalt  }
0x79: {  	_ =	shalt  }
0x7a: {  	_ =	shalt  }
0x7b: {  	_ =	shalt  }
0x7c: {  	_ =	shalt  }
0x7d: {  	_ =	shalt  }
0x7e: {  	_ =	shalt  }
0x7f: {  	_ =	shalt  }
0x80: {  	_ =	shalt  }
0x81: {  	_ =	shalt  }
0x82: {  	_ =	shalt  }
0x83: {  	_ =	shalt  }
0x84: {  	_ =	shalt  }
0x85: {  	_ =	shalt  }
0x86: {  	_ =	shalt  }
0x87: {  	_ =	shalt  }
.Lfunc_end0:
.L_simem_size_0:
called_computation_lowered:
.L_overlay_start_0:
0x88: {  	s2 =	sld [smem:$0x3FD9]  }
0x89: {  	s3 =	sld [smem:$0x3FFE];
	_ =	sdelay $0x1  }
0x8a: {  	s1 =	srdreg.scid  }
0x8b: {  	s0 =	sand.u32 $0x1, s1  }
0x8c: {  	s17 =	sshll.u32 s0, $0xA;
	s2 =	sadd.s32 s3, s2  }
0x8d: {  	s2 =	sadd.s32 s2, s17  }
0x8e: {  	[smem:$0x3FC4] =	sst s2  }
0x8f: {  	_ = 	snop  }
0x90: {  	s2 =	sld [smem:$0x3FC8]  }
0x91: {  	s18 =	sld [smem:$0x3FC7]  }
0x92: {  	s4 =	sld [smem:$0x3FD0];
	(tm) =	ssettm $0x1  }
0x93: {  	s5 =	sld [smem:$0x3FFB];
	_ =	sdelay $0x3  }
0x94: {  	_ =	strace s5  }
0x95: {  	s5 =	sld [smem:$0x3FFC];
	_ =	sdelay $0x3  }
0x96: {  	_ =	strace s5  }
0x97: {  	s5 =	sld [smem:$0x3FFD];
	_ =	sdelay $0x3  }
0x98: {  	_ =	strace s5  }
0x99: {  	_ =	strace $0x8FFFFFFF  }
0x9a: {  	s19 =	sld [smem:$0x3FDB];
	_ =	sdelay $0x1  }
0x9b: {  	s6 =	simm.s32 $_scs_section_size  }
0x9c: {  	s7 =	simm.s32 $_size__tile_overlayer_lowered;
	s8 =	simm.s32 $_tile_overlayer_lowered  }
0x9d: {  	s22 =	simm.s32 $0x1BFF;
	s21 =	sshll.u32 s8, $0x1;
	s5 =	sadd.s32 s6, s19  }
0x9e: {  	s9 =	simm.s32 $0x0;
	s20 =	sshll.u32 s7, $0x1;
	s7 =	sadd.s32 s21, s5  }
0x9f: {  	[timem:s9], [sflag:s22] =	dma.local [hbm:s7], s20  }
0xa0: {  	_ =	swait.ge [sflag:s22], s20  }
0xa1: {  	s6 =	ssub.s32 $0x0, s20;
	[sflag:s22] =	ssyncset.done $0x0  }
0xa2: {  	[sflag:s22] =	ssyncadd.s32 s6;
	_ =	sdelay $0x1  }
0xa3: {  	s23 =	simm.s32 $0x1B8B  }
0xa4: {  	_ =	swait.ge [sflag:s23], $0x1  }
0xa5: {  	[sflag:s23] =	ssyncset.done $0x0  }
0xa6: {  	s25 =	simm.s32 $0x1B8E;
	s24 =	sld [smem:$0x3FFE];
	[sflag:s23] =	ssyncadd.s32 $0xFFFFFFFF  }
0xa7: {  	s26 =	simm.s32 $execute0_lowered;
	[smem:$0x3FD2] =	sst s25  }
0xa8: {  	s7 =	sshll.u32 s26, $0x1;
	_ =	strace $0x80000046;
	[dreg:$0x1] =	wrdreg $0xFFFFFFFF  }
0xa9: {  	s28 =	simm.s32 $_size_execute0_lowered;
	s5 =	sadd.s32 s5, s7;
	[dreg:$0x0] =	wrdreg $0x0  }
0xaa: {  	s7 =	sshll.u32 s28, $0x1;
	[dreg:$0x2] =	wrdreg s5  }
0xab: {  	[dreg:$0x3] =	wrdreg s7  }
0xac: {  	[dreg:$0x4] =	wrdreg $0xC0  }
0xad: {  	_ =	task [dreg:s9], $0x5FFFF  }
0xae: {  	[dreg:$0x1] =	wrdreg $0xFFFFFFFF  }
0xaf: {  	[dreg:$0x0] =	wrdreg $0x60  }
0xb0: {  	[dreg:$0x2] =	wrdreg s24  }
0xb1: {  	[dreg:$0x3] =	wrdreg s2  }
0xb2: {  	[dreg:$0x4] =	wrdreg s18  }
0xb3: {  	[dreg:$0x5] =	wrdreg s4  }
0xb4: {  	[dreg:$0x6] =	wrdreg $0x9  }
0xb5: {  	_ =	task.clear_ibuf [dreg:s9], $0x7FFFF;
	_ =	strace $0x90000046  }
0xb6: {  	s29 =	simm.s32 $0x9;
	_ =	strace $0x80000048  }
0xb7: {  	_ =	swait.ge [sflag:s29], $0x1  }
0xb8: {  	[sflag:s29] =	ssyncadd.s32 $0xFFFFFFFF  }
0xb9: {  	_ =	strace $0x90000048  }
0xba: {  	_ =	sfence  }
0xbb: {  	s30 =	sld [smem:$0x0];
	_ =	sdelay $0x2  }
0xbc: {  	s31 =	sshll.u32 s1, $0xD;
	s1 =	sshrl.u32 s1, $0x2  }
0xbd: {  	s3 =	sand.u32 $0x4000, s31;
	s1 =	sadd.s32 s1, s30  }
0xbe: {  	s0 =	sor.u32 s3, s0;
	s1 =	sshll.u32 s1, $0x11  }
0xbf: {  	s0 =	sor.u32 s1, s0  }
0xc0: {  	s0 =	sadd.s32 $0x8F2B, s0  }
0xc1: {  	[sflag:s0] =	ssyncadd.remote.s32 $0x1  }
0xc2: {  	_ =	sfence.sel $0xFFFF  }
0xc3: {  	[dreg:$0x0] =	wrdreg $0xFFFFFFFF;
	(pc) =	sbr.abs _section_cstart, $3  }
0xc4: {  	[dreg:$0x1] =	wrdreg $0xFFFFFFFF  }
0xc5: {  	_ =	task.clear_ibuf [dreg:s9], $0x2FFFF;
	_ =	strace $0x9FFFFFFF  }
0xc6: {  	(tm) =	ssettm $0x7FFFFFFF  }
0xc7: {  	_ =	shalt  }
tec
execute0_lowered:
.L_overlay_start_1:
0x0: {  	(tag) =	ssettag $0x1  }
0x1: {  	s3 =	rddreg [dreg:$0x0]  }
0x2: {  	s5 =	rddreg [dreg:$0x1]  }
0x3: {  	s6 =	rddreg [dreg:$0x2]  }
0x4: {  	s7 =	rddreg [dreg:$0x3]  }
0x5: {  	s0 =	rddreg [dreg:$0x4]  }
0x6: {  	s4 =	srdreg.scid;
	s1 =	stileid.u32;
	s2 =	simm.s32 $0x0  }
0x7: {  	s15 =	simm.s32 $0x1;
	s16 =	simm.s32 $0x9E80;
	s17 =	simm.s32 $0x2  }
0x8: {  	s18 =	simm.s32 $0xC590;
	s19 =	simm.s32 $0xECA0;
	s20 =	simm.s32 $0x0  }
0x9: {  	s4 =	sand.u32 $0x1, s4;
	s8 =	sshll.u32 s1, $0x1;
	s11 =	smul.u32 $0x4E20, s1  }
0xa: {  	[smem:$0x7FF] =	sst s2;
	s8 =	sor.u32 s4, s8;
	s14 =	smul.u32 $0x2710, s4  }
0xb: {  	s3 =	sadd.s32 $0xC00, s3;
	s10 =	ssub.s32 $0x2, s4;
	s9 =	smul.u32 $0x2710, s8  }
0xc: {  	_ =	strace $0x80000047;
	s12 =	sshrl.u32 s10, $0x1;
	s8 =	smul.u32 $0x7800, s8  }
0xd: {  	s10 =	ssub.s32 s10, s12;
	s11 =	sadd.s32 s14, s11;
	s14 =	simm.s32 $0x7700  }
0xe: {  	s13 =	sshrl.u32 s9, $0x2;
	s4 =	sand.u32 $0x70, s9;
	s9 =	sshrl.u32 s9, $0x3  }
0xf: {  	s8 =	sshrl.u32 s8, $0x3;
	s11 =	sshrl.u32 s11, $0x4;
	s10 =	smax.u32 s10, $0x1  }
0x10: {  	s30 =	sand.u32 $0x1FFE0, s13;
	s6 =	sadd.s32 s6, s9;
	s7 =	sadd.s32 s7, s8  }
0x11: {  	s31 =	sand.u32 $0x7, s11;
	s13 =	simm.s32 $0x2800;
	s5 =	sadd.s32 s5, s30  }
0x12: {  	s8 =	sadd.s32 $0x500, s7;
	s11 =	sshll.u32 s31, $0x5;
	s12 =	sshll.u32 s31, $0x4  }
0x13: {  	v0 =	vimm.f32 $0.0e+00;
	s9 =	sadd.s32 $0xA00, s7;
	s11 =	sadd.s32 $0x20, s11;
	s12 =	sadd.s32 $0x10, s12  }
.LBB2_1:
0x14: {  	[tilespmem:s2], [sflag:$0x1] =	stream.linear.gather [hbm4b:s3+s2], $0x2800, $0x38;
	[tilespmem:$0x11400] =	vst v63  }
0x15: {  	_ = 	snop  }
0x16: {  	[tilespmem:s13], [sflag:$0x1] =	stream.linear.gather [hbm4b:s5+s2], $0x4F00, $0x38;
	[tilespmem:$0x11400] =	vst v63  }
0x17: {  	s21 =	simm.s32 $0x9EA0  }
0x18: {  	[tilespmem:s14], [sflag:$0x1] =	stream.linear.gather [hbm4b:s6+s2], $0x2710, $0x38;
	[tilespmem:$0x11400] =	vst v63  }
0x19: {  	[tilespmem:s21+$0xFFFFFFE0] =	vst v0  }
0x1a: {  	[tilespmem:s21+$0x10] =	vst v0  }
0x1b: {  	s22 =	simm.s32 $0x0;
	[tilespmem:s21+$0x0] =	vst v0  }
.LBB2_2:
0x1c: {  	s22 =	sadd.s32 $0x4, s22  }
0x1d: {  	[tilespmem:s21+$0xFFFFFFF0] =	vst v0;
	s21 =	sadd.s32 $0x40, s21;
	p0 =	slt.u32 s22, $0x74C  }
.Ltmp0:
0x1e: {  	[tilespmem:s21+$0xFFFFFFE0] =	vst v0;
	(pc) =	sbr.rel @p0 .LBB2_2-.Ltmp0, $3  }
0x1f: {  	_ =	sdelay $0x1  }
0x20: {  	[tilespmem:s21+$0x10] =	vst v0  }
0x21: {  	[tilespmem:s21+$0x0] =	vst v0  }
0x22: {  	[tilespmem:s21+$0xFFFFFFF0] =	vst v0  }
0x23: {  	[tilespmem:$0x11380] =	vst v0  }
0x24: {  	[tilespmem:$0x11390] =	vst v0  }
0x25: {  	[tilespmem:$0x113A0] =	vst v0  }
0x26: {  	_ =	swait.ge [sflag:s15], $0x2800  }
0x27: {  	[sflag:s15] =	ssyncset.done $0x0  }
0x28: {  	[sflag:s15] =	ssyncadd.s32 $0xFFFFD800  }
0x29: {  	_ =	swait.ge [sflag:s15], $0x4F00  }
0x2a: {  	[sflag:s15] =	ssyncset.done $0x0  }
0x2b: {  	[sflag:s15] =	ssyncadd.s32 $0xFFFFB100  }
0x2c: {  	s30 =	sadd.s32 $0xFFFFFFF0, s12;
	s22 =	sadd.s32 $0xFFFFFFE0, s11;
	_ =	swait.ge [sflag:s15], $0x2710  }
0x2d: {  	s21 =	sand.u32 $0x70, s30;
	s22 =	sand.u32 $0xFF00, s22;
	[sflag:s15] =	ssyncset.done $0x0  }
0x2e: {  	s22 =	sor.u32 s21, s22;
	[sflag:s15] =	ssyncadd.s32 $0xFFFFD8F0  }
0x2f: {  	v1 =	vld [tilespmem:s22+$0x2880];
	_ =	sdelay $0x3  }
0x30: {  	s21 =	simm.s32 $0x7710  }
0x31: {  	v2 =	vld [tilespmem:s21+$0xFFFFFFF0]  }
0x32: {  	v3 =	vld [tilespmem:s22+$0x2800];
	_ =	sdelay $0x1  }
0x33: {  	v1 =	vld.idx.msk [tilespmem:v1+s2+$0x0], $0xffff;
	_ =	sdelay $0x1  }
0x34: {  	v4 =	vmul.f32 v2, v2  }
0x35: {  	v5 =	vadd.s32 $0x2710, v3  }
0x36: {  	v6 =	vadd.s32 $0x4E20, v3;
	v7 =	vmul.f32 v4, v4  }
0x37: {  	v2 =	vmul.f32 v1, v2;
	v1 =	vmul.f32 v1, v4;
	_ =	sdelay $0x1  }
0x38: {  	v4 =	vmul.f32 v1, v7;
	[tilespmem:v3+s16+$0x0] =	vst.idx.add.f32.msk $0xffff, v2  }
0x39: {  	s31 =	sand.u32 $0x70, s12;
	s23 =	sand.u32 $0xFF00, s11;
	[tilespmem:v5+s16+$0x0] =	vst.idx.add.f32.msk $0xffff, v1  }
0x3a: {  	s22 =	sor.u32 s31, s23;
	[tilespmem:v6+s16+$0x0] =	vst.idx.add.f32.msk $0xffff, v4  }
0x3b: {  	v2 =	vld [tilespmem:s22+$0x2880];
	_ =	sdelay $0x4  }
0x3c: {  	v5 =	vld [tilespmem:s21+$0x0]  }
0x3d: {  	v1 =	vld [tilespmem:s22+$0x2800];
	_ =	sdelay $0x1  }
0x3e: {  	v7 =	vld.idx.msk [tilespmem:v2+s2+$0x0], $0xffff;
	_ =	sdelay $0x1  }
0x3f: {  	v8 =	vmul.f32 v5, v5  }
0x40: {  	v2 =	vadd.s32 $0x2710, v1  }
0x41: {  	s23 =	sadd.s32 $0x20, s12;
	s22 =	sadd.s32 $0x40, s11;
	v3 =	vadd.s32 $0x4E20, v1;
	v4 =	vmul.f32 v8, v8  }
0x42: {  	s25 =	sadd.s32 $0xFFFFFFF0, s23;
	s26 =	sadd.s32 $0xFFFFFFE0, s22;
	v6 =	vmul.f32 v7, v5;
	v5 =	vmul.f32 v7, v8  }
0x43: {  	s24 =	simm.s32 $0x2;
	s25 =	sand.u32 $0x70, s25;
	s26 =	sand.u32 $0xFF00, s26  }
.LBB2_4:
0x44: {  	s24 =	sadd.s32 $0x2, s24;
	s25 =	sor.u32 s25, s26;
	v4 =	vmul.f32 v5, v4;
	[tilespmem:v1+s16+$0x0] =	vst.idx.add.f32.msk $0xffff, v6;
	s21 =	sadd.s32 $0x20, s21  }
0x45: {  	p0 =	slt.u32 s24, $0x26E;
	[tilespmem:v2+s16+$0x0] =	vst.idx.add.f32.msk $0xffff, v5  }
0x46: {  	[tilespmem:v3+s16+$0x0] =	vst.idx.add.f32.msk $0xffff, v4  }
0x47: {  	v1 =	vld [tilespmem:s25+$0x2880];
	_ =	sdelay $0x3  }
0x48: {  	v2 =	vld [tilespmem:s21+$0xFFFFFFF0]  }
0x49: {  	v3 =	vld [tilespmem:s25+$0x2800];
	_ =	sdelay $0x2  }
0x4a: {  	v1 =	vld.idx.msk [tilespmem:v1+s2+$0x0], $0xffff;
	_ =	sdelay $0x1  }
0x4b: {  	v4 =	vmul.f32 v2, v2;
	v5 =	vadd.s32 $0x2710, v3  }
0x4c: {  	v6 =	vadd.s32 $0x4E20, v3;
	_ =	sdelay $0x1  }
0x4d: {  	v7 =	vmul.f32 v4, v4  }
0x4e: {  	v2 =	vmul.f32 v1, v2;
	v1 =	vmul.f32 v1, v4  }
0x4f: {  	s26 =	sand.u32 $0xFF00, s22;
	s25 =	sand.u32 $0x70, s23  }
0x50: {  	s25 =	sor.u32 s25, s26;
	v4 =	vmul.f32 v1, v7;
	[tilespmem:v3+s16+$0x0] =	vst.idx.add.f32.msk $0xffff, v2  }
0x51: {  	[tilespmem:v5+s16+$0x0] =	vst.idx.add.f32.msk $0xffff, v1  }
0x52: {  	[tilespmem:v6+s16+$0x0] =	vst.idx.add.f32.msk $0xffff, v4  }
0x53: {  	v2 =	vld [tilespmem:s25+$0x2880];
	_ =	sdelay $0x3  }
0x54: {  	v5 =	vld [tilespmem:s21+$0x0]  }
0x55: {  	v1 =	vld [tilespmem:s25+$0x2800];
	_ =	sdelay $0x2  }
0x56: {  	v7 =	vld.idx.msk [tilespmem:v2+s2+$0x0], $0xffff;
	_ =	sdelay $0x1  }
0x57: {  	v8 =	vmul.f32 v5, v5;
	v2 =	vadd.s32 $0x2710, v1  }
.Ltmp1:
0x58: {  	v3 =	vadd.s32 $0x4E20, v1;
	(pc) =	sbr.rel @p0 .LBB2_4-.Ltmp1, $4  }
0x59: {  	v4 =	vmul.f32 v8, v8  }
0x5a: {  	s22 =	sadd.s32 $0x40, s22;
	s23 =	sadd.s32 $0x20, s23  }
0x5b: {  	s26 =	sadd.s32 $0xFFFFFFE0, s22;
	s25 =	sadd.s32 $0xFFFFFFF0, s23;
	v6 =	vmul.f32 v7, v5;
	v5 =	vmul.f32 v7, v8  }
0x5c: {  	s26 =	sand.u32 $0xFF00, s26;
	s25 =	sand.u32 $0x70, s25  }
0x5d: {  	_ =	sdelay $0x3  }
0x5e: {  	v4 =	vmul.f32 v5, v4;
	[tilespmem:v1+s16+$0x0] =	vst.idx.add.f32.msk $0xffff, v6  }
0x5f: {  	[tilespmem:v2+s16+$0x0] =	vst.idx.add.f32.msk $0xffff, v5  }
0x60: {  	s24 =	sor.u32 s25, s26;
	[tilespmem:v3+s16+$0x0] =	vst.idx.add.f32.msk $0xffff, v4  }
0x61: {  	v1 =	vld [tilespmem:s24+$0x2880];
	_ =	sdelay $0x3  }
0x62: {  	s21 =	sadd.s32 $0x20, s21  }
0x63: {  	v2 =	vld [tilespmem:s21+$0xFFFFFFF0]  }
0x64: {  	v3 =	vld [tilespmem:s24+$0x2800];
	_ =	sdelay $0x1  }
0x65: {  	v1 =	vld.idx.msk [tilespmem:v1+s2+$0x0], $0xffff;
	_ =	sdelay $0x1  }
0x66: {  	v54 =	vmul.f32 v2, v2  }
0x67: {  	v55 =	vadd.s32 $0x2710, v3  }
0x68: {  	v56 =	vadd.s32 $0x4E20, v3;
	v7 =	vmul.f32 v54, v54  }
0x69: {  	v2 =	vmul.f32 v1, v2;
	v1 =	vmul.f32 v1, v54;
	_ =	sdelay $0x1  }
0x6a: {  	v4 =	vmul.f32 v1, v7;
	[tilespmem:v3+s16+$0x0] =	vst.idx.add.f32.msk $0xffff, v2  }
0x6b: {  	s23 =	sand.u32 $0x70, s23;
	s22 =	sand.u32 $0xFF00, s22;
	[tilespmem:v55+s16+$0x0] =	vst.idx.add.f32.msk $0xffff, v1  }
0x6c: {  	s22 =	sor.u32 s23, s22;
	[tilespmem:v56+s16+$0x0] =	vst.idx.add.f32.msk $0xffff, v4  }
0x6d: {  	v1 =	vld [tilespmem:s22+$0x2880];
	_ =	sdelay $0x4  }
0x6e: {  	v2 =	vld [tilespmem:s21+$0x0]  }
0x6f: {  	v3 =	vld [tilespmem:s22+$0x2800];
	_ =	sdelay $0x1  }
0x70: {  	v1 =	vld.idx.msk [tilespmem:v1+s2+$0x0], $0xffff;
	_ =	sdelay $0x1  }
0x71: {  	v57 =	vmul.f32 v2, v2  }
0x72: {  	v58 =	vadd.s32 $0x2710, v3  }
0x73: {  	v59 =	vadd.s32 $0x4E20, v3;
	v60 =	vmul.f32 v57, v57  }
0x74: {  	v2 =	vmul.f32 v1, v2;
	v1 =	vmul.f32 v1, v57;
	_ =	sdelay $0x1  }
0x75: {  	v4 =	vmul.f32 v1, v60;
	[tilespmem:v3+s16+$0x0] =	vst.idx.add.f32.msk $0xffff, v2  }
0x76: {  	[tilespmem:v58+s16+$0x0] =	vst.idx.add.f32.msk $0xffff, v1  }
0x77: {  	[tilespmem:v59+s16+$0x0] =	vst.idx.add.f32.msk $0xffff, v4  }
0x78: {  	v1 =	vld [tilespmem:s4+$0x7680];
	_ =	sdelay $0x4  }
0x79: {  	v3 =	vld [tilespmem:$0x9E00]  }
0x7a: {  	v2 =	vld [tilespmem:s4+$0x7600];
	_ =	sdelay $0x1  }
0x7b: {  	v1 =	vld.idx.msk [tilespmem:v1+s2+$0x0], $0xffff;
	_ =	sdelay $0x1  }
0x7c: {  	v61 =	vmul.f32 v3, v3  }
0x7d: {  	v62 =	vadd.s32 $0x2710, v2  }
0x7e: {  	v63 =	vadd.s32 $0x4E20, v2;
	v4 =	vmul.f32 v61, v61  }
0x7f: {  	v3 =	vmul.f32 v1, v3;
	v1 =	vmul.f32 v1, v61;
	_ =	sdelay $0x1  }
0x80: {  	v4 =	vmul.f32 v1, v4;
	[tilespmem:v2+s16+$0x0] =	vst.idx.add.f32.msk $0xffff, v3  }
0x81: {  	[tilespmem:v62+s16+$0x0] =	vst.idx.add.f32.msk $0xffff, v1  }
0x82: {  	[tilespmem:v63+s16+$0x0] =	vst.idx.add.f32.msk $0xffff, v4  }
0x83: {  	[hbm4b:s7+s2] =	stream.linear.scatter [tilespmem:s16], [sflag:$0x2], $0x2710, $0x38;
	[tilespmem:$0x11400] =	vst v63  }
0x84: {  	_ =	swait.ge [sflag:s17], $0x2710  }
0x85: {  	[sflag:s17] =	ssyncset.done $0x0  }
0x86: {  	[sflag:s17] =	ssyncadd.s32 $0xFFFFD8F0  }
0x87: {  	[hbm4b:s8+s2] =	stream.linear.scatter [tilespmem:s18], [sflag:$0x2], $0x2710, $0x38;
	[tilespmem:$0x11400] =	vst v63  }
0x88: {  	s20 =	sadd.s32 $0x1, s20;
	_ =	swait.ge [sflag:s17], $0x2710  }
0x89: {  	p0 =	sne.s32 s20, s10;
	[sflag:s17] =	ssyncset.done $0x0  }
.Ltmp2:
0x8a: {  	[sflag:s17] =	ssyncadd.s32 $0xFFFFD8F0;
	(pc) =	sbr.rel @p0 .LBB2_1-.Ltmp2, $4  }
0x8b: {  	[hbm4b:s9+s2] =	stream.linear.scatter [tilespmem:s19], [sflag:$0x2], $0x2710, $0x38;
	[tilespmem:$0x11400] =	vst v63  }
0x8c: {  	_ =	swait.ge [sflag:s17], $0x2710  }
0x8d: {  	[sflag:s17] =	ssyncset.done $0x0  }
0x8e: {  	[sflag:s17] =	ssyncadd.s32 $0xFFFFD8F0  }
0x8f: {  	_ =	sfence.sel $0x180000  }
0x90: {  	[bflag:$0x0] =	sbarrier.arrive $0xFFFF  }
0x91: {  	p0 =	sne.s32 s1, $0x0;
	_ =	strace $0x90000047  }
0x92: {  	s0 =	sadd.s32 @!p0 $0x100000, s0;
	[bflag:$0x2] =	sbarrier.arrive $0xFFFF  }
0x93: {  	[sflag:s0] =	ssyncadd.tile.s32 @!p0 $0x1;
	_ =	shalt  }
.Lfunc_end2:
_tile_overlayer_lowered:
.L_overlay_start_2:
0x94: {  	(tag) =	ssettag $0x2  }
0x95: {  	s0 =	rddreg [dreg:$0x0];
	s2 =	stileid.u32  }
0x96: {  	s1 =	rddreg [dreg:$0x1];
	p0 =	sne.s32 s2, $0x0  }
0x97: {  	s3 =	rddreg [dreg:$0x2];
	[bflag:$0x3] =	sbarrier.arrive $0xFFFF;
	s2 =	simm.s32 @!p0 $0x1C02  }
0x98: {  	[timem:s3], [sflag:s2] =	dma.local @!p0 [hbm:s0], s1  }
0x99: {  	s0 =	simm.s32 @!p0 $0x2  }
0x9a: {  	_ =	swait.ge @!p0 [sflag:s0], s1  }
0x9b: {  	s1 =	ssub.s32 @!p0 $0x0, s1;
	[sflag:s0] =	ssyncset.done @!p0 $0x0  }
0x9c: {  	[sflag:s0] =	ssyncadd.s32 @!p0 s1  }
0x9d: {  	[bflag:$0x3] =	sbarrier.arrive $0xFFFF  }
0x9e: {  	_ =	shalt  }

</sc_bundles>
